<compile_context>
chip_gen: v7x
topology: tpu7x:2x2x1
jax: 0.10.2.dev20260603
libtpu: 0.0.44.dev20260713+nightly
codegen_flags: <defaults>
</compile_context>

<pallas_src>
import jax
import jax.numpy as jnp
from jax import lax
from jax.experimental import pallas as pl
from jax.experimental.pallas import tpu as pltpu
from jax.experimental.pallas import tpu_sc as plsc

W = 8
D = 2 * W
L = 200
NC, NS = 2, 16
NW = NC * NS
N = 4096 * L
NB = N // NW
SB = NB // L
CSEQ = 8
CS = CSEQ * L
G = NB // CS
HALF = G // 2

BW = 8192
NBLK = (1000000 + BW - 1) // BW


def _prep_body(ft_ref, at_ref, o_ref):
    f = ft_ref[...]
    sp = jnp.maximum(f, 0.0) + jnp.log1p(jnp.exp(-jnp.abs(f)))
    x = jnp.concatenate([sp, at_ref[...]], axis=0)
    y = jnp.swapaxes(x, 0, 1).reshape(BW // 8, 8, D)
    o_ref[...] = jnp.concatenate([y[:, j, :] for j in range(8)], axis=1)


def _prep_table(frequencies, amplitudes):
    V = frequencies.shape[0]
    out = pl.pallas_call(
        _prep_body,
        grid=(NBLK,),
        in_specs=[
            pl.BlockSpec((8, BW), lambda i: (0, i)),
            pl.BlockSpec((8, BW), lambda i: (0, i)),
        ],
        out_specs=pl.BlockSpec((BW // 8, 128), lambda i: (i, 0)),
        out_shape=jax.ShapeDtypeStruct((V * D // 128, 128), jnp.float32),
    )(frequencies.T, amplitudes.T)
    return out.reshape(V * D).reshape(V, D)


def _body(ids_hbm, tab_hbm, out_hbm, idxall, ob0, ob1,
          sg0, sg1, so0, so1):
    wid = lax.axis_index("s") * NC + lax.axis_index("c")
    s_base = wid * SB
    pltpu.sync_copy(ids_hbm.at[pl.ds(s_base, SB)], idxall)

    def gather(g, ob, sg):
        for j in range(CSEQ):
            pltpu.async_copy(
                tab_hbm.at[idxall.at[g * CSEQ + j]],
                ob.at[j], sg)

    def drain_gather(g, ob, sg):
        for j in range(CSEQ):
            pltpu.make_async_copy(
                tab_hbm.at[idxall.at[g * CSEQ + j]],
                ob.at[j], sg).wait()

    def owin(g):
        return out_hbm.at[pl.ds(s_base + g * CSEQ, CSEQ), :, pl.ds(0, D)]

    gather(0, ob0, sg0)

    def step(p, _):
        g0 = 2 * p

        @pl.when(p > 0)
        def _():
            pltpu.make_async_copy(ob1, owin(g0 - 1), so1).wait()

        gather(g0 + 1, ob1, sg1)
        drain_gather(g0, ob0, sg0)
        pltpu.async_copy(ob0, owin(g0), so0)

        @pl.when(p < HALF - 1)
        def _():
            pltpu.make_async_copy(ob0, owin(g0), so0).wait()
            gather(g0 + 2, ob0, sg0)

        drain_gather(g0 + 1, ob1, sg1)
        pltpu.async_copy(ob1, owin(g0 + 1), so1)
        return 0

    lax.fori_loop(0, HALF, step, 0)
    pltpu.make_async_copy(ob0, owin(G - 2), so0).wait()
    pltpu.make_async_copy(ob1, owin(G - 1), so1).wait()


@jax.jit
def kernel(token_ids, frequencies, amplitudes):
    B, LL = token_ids.shape
    tab = _prep_table(frequencies, amplitudes)
    mesh = plsc.VectorSubcoreMesh(core_axis_name="c", subcore_axis_name="s",
                                  num_cores=NC, num_subcores=NS)
    out = pl.kernel(
        _body,
        out_type=jax.ShapeDtypeStruct((B, LL, 128), jnp.float32),
        mesh=mesh,
        scratch_types=[
            pltpu.VMEM((SB, L), jnp.int32),
            pltpu.VMEM((CSEQ, L, D), jnp.float32),
            pltpu.VMEM((CSEQ, L, D), jnp.float32),
            pltpu.SemaphoreType.DMA,
            pltpu.SemaphoreType.DMA,
            pltpu.SemaphoreType.DMA,
            pltpu.SemaphoreType.DMA,
        ],
        compiler_params=pltpu.CompilerParams(use_tc_tiling_on_sc=False),
    )(token_ids, tab)
    return out[:, :, :D]

# --- scband reference (transcript-rebuilt; emitter-appended) ---
"""Pipeline reference for scband-wave-embedding-v2-4440996184315 (READ-ONLY COPY).

The authoritative reference and input builder live on the scoring server;
editing this copy changes nothing except your own understanding.
"""

import jax, jax.numpy as jnp
import numpy as np

V = 1000000
W = 8
B = 4096
L = 200

def setup_inputs(seed: int = 0) -> dict:
    key = jax.random.key(seed)
    k1, k2, k3 = jax.random.split(key, 3)
    token_ids = jax.random.randint(k1, (B, L), 0, V)
    frequencies = jax.random.normal(k2, (V, W), dtype=jnp.float32) * 2.0
    amplitudes = jnp.ones((V, W), dtype=jnp.float32) + jax.random.normal(k3, (V, W), dtype=jnp.float32) * 0.1
    return {"token_ids": token_ids, "frequencies": frequencies, "amplitudes": amplitudes}

def reference(token_ids, frequencies, amplitudes):
    # get_params: gather rows then softplus the frequencies
    f = jax.nn.softplus(jnp.take(frequencies, token_ids, axis=0))
    A = jnp.take(amplitudes, token_ids, axis=0)
    # forward: concatenated [f, A] -> (batch, seq_len, num_waves * 2)
    return jnp.concatenate([f, A], axis=-1)

if __name__ == "__main__":
    import jax
    _d = setup_inputs()
    print(jax.jit(kernel)(*tuple(_d.values())))

</pallas_src>

<mosaic_0001>
#map = affine_map<(d0, d1) -> (0, 0)>
#map1 = affine_map<(d0, d1) -> (0, 0, 0)>
module attributes {stable_mosaic.version = 14 : i64} {
  func.func @_body(%arg0: i32, %arg1: i32, %arg2: memref<4096x200xi32, #tpu.memory_space<hbm>>, %arg3: memref<1000000x16xf32, #tpu.memory_space<hbm>>, %arg4: memref<4096x200x128xf32, #tpu.memory_space<hbm>>, %arg5: memref<128x200xi32, #tpu.memory_space<vmem>>, %arg6: memref<8x200x16xf32, #tpu.memory_space<vmem>>, %arg7: memref<8x200x16xf32, #tpu.memory_space<vmem>>, %arg8: memref<!tpu.dma_semaphore, #tpu.memory_space<semaphore_mem>>, %arg9: memref<!tpu.dma_semaphore, #tpu.memory_space<semaphore_mem>>, %arg10: memref<!tpu.dma_semaphore, #tpu.memory_space<semaphore_mem>>, %arg11: memref<!tpu.dma_semaphore, #tpu.memory_space<semaphore_mem>>) attributes {dimension_semantics = [#tpu.dimension_semantics<core_parallel>, #tpu.dimension_semantics<subcore_parallel>], iteration_bounds = array<i64: 2, 16>, scalar_prefetch = 0 : i64, scratch_operands = 7 : i64, tpu.core_type = #tpu.core_type<sc_vector_subcore>, window_params = [{transform_indices = #map}, {transform_indices = #map}, {transform_indices = #map1}]} {
    %mul3A = arith.constant 2 : i32
    %mul3A_0 = arith.muli %arg1, %mul3A : i32
    %add3A = arith.addi %mul3A_0, %arg0 : i32
    %mul3A_1 = arith.constant 128 : i32
    %mul3A_2 = arith.muli %add3A, %mul3A_1 : i32
    "tpu.region"() ({
      %run_scoped3A = tpu.sem_alloc : memref<!tpu.dma_semaphore, #tpu.memory_space<semaphore_mem>>
      %dma_start3A_119 = arith.constant 0 : i32
      %dma_start3A_120 = tpu.memref_slice %arg2[%mul3A_2, %dma_start3A_119] : memref<4096x200xi32, #tpu.memory_space<hbm>> -> memref<128x200xi32, #tpu.memory_space<hbm>>
      %dma_start3A_121 = arith.constant 0 : i32
      %dma_start3A_122 = tpu.memref_slice %arg2[%mul3A_2, %dma_start3A_121] : memref<4096x200xi32, #tpu.memory_space<hbm>> -> memref<128x200xi32, #tpu.memory_space<hbm>>
      tpu.enqueue_dma source(%dma_start3A_122 : memref<128x200xi32, #tpu.memory_space<hbm>>) target(%arg5 : memref<128x200xi32, #tpu.memory_space<vmem>>) target_semaphore(%run_scoped3A : memref<!tpu.dma_semaphore, #tpu.memory_space<semaphore_mem>>)
      %dma_wait3A_123 = arith.constant 0 : i32
      %dma_wait3A_124 = tpu.memref_slice %arg2[%mul3A_2, %dma_wait3A_123] : memref<4096x200xi32, #tpu.memory_space<hbm>> -> memref<128x200xi32, #tpu.memory_space<hbm>>
      %dma_wait3A_125 = arith.constant 0 : i32
      %dma_wait3A_126 = tpu.memref_slice %arg2[%mul3A_2, %dma_wait3A_125] : memref<4096x200xi32, #tpu.memory_space<hbm>> -> memref<128x200xi32, #tpu.memory_space<hbm>>
      tpu.wait_dma2 semaphore(%run_scoped3A : memref<!tpu.dma_semaphore, #tpu.memory_space<semaphore_mem>>) src(%dma_wait3A_126 : memref<128x200xi32, #tpu.memory_space<hbm>>) dst(%arg5 : memref<128x200xi32, #tpu.memory_space<vmem>>)
      tpu.yield
    }) : () -> ()
    %dma_start3A = arith.constant 0 : i32
    %dma_start3A_3 = arith.constant 0 : i32
    %dma_start3A_4 = arith.constant 0 : i32
    %dma_start3A_5 = arith.constant 0 : i32
    %dma_start3A_6 = tpu.memref_slice %arg6[%dma_start3A_3, %dma_start3A_4, %dma_start3A_5] : memref<8x200x16xf32, #tpu.memory_space<vmem>> -> memref<1x200x16xf32, #tpu.memory_space<vmem>>
    %dma_start3A_7 = tpu.memref_squeeze %dma_start3A_6 : memref<1x200x16xf32, #tpu.memory_space<vmem>> -> memref<200x16xf32, #tpu.memory_space<vmem>>
    %dma_start3A_8 = arith.constant 0 : i32
    %dma_start3A_9 = tpu.memref_slice %arg5[%dma_start3A, %dma_start3A_8] : memref<128x200xi32, #tpu.memory_space<vmem>> -> memref<1x200xi32, #tpu.memory_space<vmem>>
    %dma_start3A_10 = tpu.memref_squeeze %dma_start3A_9 : memref<1x200xi32, #tpu.memory_space<vmem>> -> memref<200xi32, #tpu.memory_space<vmem>>
    %dma_start3A_11 = arith.constant 0 : i32
    %dma_start3A_12 = arith.constant 0 : i32
    %dma_start3A_13 = tpu.memref_slice %arg3[%dma_start3A_11, %dma_start3A_12] : memref<1000000x16xf32, #tpu.memory_space<hbm>> -> memref<1000000x16xf32, #tpu.memory_space<hbm>>
    tpu.enqueue_indirect_dma source(%dma_start3A_13 : memref<1000000x16xf32, #tpu.memory_space<hbm>>) target(%dma_start3A_7 : memref<200x16xf32, #tpu.memory_space<vmem>>) offsets(%dma_start3A_10 : memref<200xi32, #tpu.memory_space<vmem>>) semaphore(%arg8 : memref<!tpu.dma_semaphore, #tpu.memory_space<semaphore_mem>>)
    %dma_start3A_14 = arith.constant 1 : i32
    %dma_start3A_15 = arith.constant 1 : i32
    %dma_start3A_16 = arith.constant 0 : i32
    %dma_start3A_17 = arith.constant 0 : i32
    %dma_start3A_18 = tpu.memref_slice %arg6[%dma_start3A_15, %dma_start3A_16, %dma_start3A_17] : memref<8x200x16xf32, #tpu.memory_space<vmem>> -> memref<1x200x16xf32, #tpu.memory_space<vmem>>
    %dma_start3A_19 = tpu.memref_squeeze %dma_start3A_18 : memref<1x200x16xf32, #tpu.memory_space<vmem>> -> memref<200x16xf32, #tpu.memory_space<vmem>>
    %dma_start3A_20 = arith.constant 0 : i32
    %dma_start3A_21 = tpu.memref_slice %arg5[%dma_start3A_14, %dma_start3A_20] : memref<128x200xi32, #tpu.memory_space<vmem>> -> memref<1x200xi32, #tpu.memory_space<vmem>>
    %dma_start3A_22 = tpu.memref_squeeze %dma_start3A_21 : memref<1x200xi32, #tpu.memory_space<vmem>> -> memref<200xi32, #tpu.memory_space<vmem>>
    %dma_start3A_23 = arith.constant 0 : i32
    %dma_start3A_24 = arith.constant 0 : i32
    %dma_start3A_25 = tpu.memref_slice %arg3[%dma_start3A_23, %dma_start3A_24] : memref<1000000x16xf32, #tpu.memory_space<hbm>> -> memref<1000000x16xf32, #tpu.memory_space<hbm>>
    tpu.enqueue_indirect_dma source(%dma_start3A_25 : memref<1000000x16xf32, #tpu.memory_space<hbm>>) target(%dma_start3A_19 : memref<200x16xf32, #tpu.memory_space<vmem>>) offsets(%dma_start3A_22 : memref<200xi32, #tpu.memory_space<vmem>>) semaphore(%arg8 : memref<!tpu.dma_semaphore, #tpu.memory_space<semaphore_mem>>)
    %dma_start3A_26 = arith.constant 2 : i32
    %dma_start3A_27 = arith.constant 2 : i32
    %dma_start3A_28 = arith.constant 0 : i32
    %dma_start3A_29 = arith.constant 0 : i32
    %dma_start3A_30 = tpu.memref_slice %arg6[%dma_start3A_27, %dma_start3A_28, %dma_start3A_29] : memref<8x200x16xf32, #tpu.memory_space<vmem>> -> memref<1x200x16xf32, #tpu.memory_space<vmem>>
    %dma_start3A_31 = tpu.memref_squeeze %dma_start3A_30 : memref<1x200x16xf32, #tpu.memory_space<vmem>> -> memref<200x16xf32, #tpu.memory_space<vmem>>
    %dma_start3A_32 = arith.constant 0 : i32
    %dma_start3A_33 = tpu.memref_slice %arg5[%dma_start3A_26, %dma_start3A_32] : memref<128x200xi32, #tpu.memory_space<vmem>> -> memref<1x200xi32, #tpu.memory_space<vmem>>
    %dma_start3A_34 = tpu.memref_squeeze %dma_start3A_33 : memref<1x200xi32, #tpu.memory_space<vmem>> -> memref<200xi32, #tpu.memory_space<vmem>>
    %dma_start3A_35 = arith.constant 0 : i32
    %dma_start3A_36 = arith.constant 0 : i32
    %dma_start3A_37 = tpu.memref_slice %arg3[%dma_start3A_35, %dma_start3A_36] : memref<1000000x16xf32, #tpu.memory_space<hbm>> -> memref<1000000x16xf32, #tpu.memory_space<hbm>>
    tpu.enqueue_indirect_dma source(%dma_start3A_37 : memref<1000000x16xf32, #tpu.memory_space<hbm>>) target(%dma_start3A_31 : memref<200x16xf32, #tpu.memory_space<vmem>>) offsets(%dma_start3A_34 : memref<200xi32, #tpu.memory_space<vmem>>) semaphore(%arg8 : memref<!tpu.dma_semaphore, #tpu.memory_space<semaphore_mem>>)
    %dma_start3A_38 = arith.constant 3 : i32
    %dma_start3A_39 = arith.constant 3 : i32
    %dma_start3A_40 = arith.constant 0 : i32
    %dma_start3A_41 = arith.constant 0 : i32
    %dma_start3A_42 = tpu.memref_slice %arg6[%dma_start3A_39, %dma_start3A_40, %dma_start3A_41] : memref<8x200x16xf32, #tpu.memory_space<vmem>> -> memref<1x200x16xf32, #tpu.memory_space<vmem>>
    %dma_start3A_43 = tpu.memref_squeeze %dma_start3A_42 : memref<1x200x16xf32, #tpu.memory_space<vmem>> -> memref<200x16xf32, #tpu.memory_space<vmem>>
    %dma_start3A_44 = arith.constant 0 : i32
    %dma_start3A_45 = tpu.memref_slice %arg5[%dma_start3A_38, %dma_start3A_44] : memref<128x200xi32, #tpu.memory_space<vmem>> -> memref<1x200xi32, #tpu.memory_space<vmem>>
    %dma_start3A_46 = tpu.memref_squeeze %dma_start3A_45 : memref<1x200xi32, #tpu.memory_space<vmem>> -> memref<200xi32, #tpu.memory_space<vmem>>
    %dma_start3A_47 = arith.constant 0 : i32
    %dma_start3A_48 = arith.constant 0 : i32
    %dma_start3A_49 = tpu.memref_slice %arg3[%dma_start3A_47, %dma_start3A_48] : memref<1000000x16xf32, #tpu.memory_space<hbm>> -> memref<1000000x16xf32, #tpu.memory_space<hbm>>
    tpu.enqueue_indirect_dma source(%dma_start3A_49 : memref<1000000x16xf32, #tpu.memory_space<hbm>>) target(%dma_start3A_43 : memref<200x16xf32, #tpu.memory_space<vmem>>) offsets(%dma_start3A_46 : memref<200xi32, #tpu.memory_space<vmem>>) semaphore(%arg8 : memref<!tpu.dma_semaphore, #tpu.memory_space<semaphore_mem>>)
    %dma_start3A_50 = arith.constant 4 : i32
    %dma_start3A_51 = arith.constant 4 : i32
    %dma_start3A_52 = arith.constant 0 : i32
    %dma_start3A_53 = arith.constant 0 : i32
    %dma_start3A_54 = tpu.memref_slice %arg6[%dma_start3A_51, %dma_start3A_52, %dma_start3A_53] : memref<8x200x16xf32, #tpu.memory_space<vmem>> -> memref<1x200x16xf32, #tpu.memory_space<vmem>>
    %dma_start3A_55 = tpu.memref_squeeze %dma_start3A_54 : memref<1x200x16xf32, #tpu.memory_space<vmem>> -> memref<200x16xf32, #tpu.memory_space<vmem>>
    %dma_start3A_56 = arith.constant 0 : i32
    %dma_start3A_57 = tpu.memref_slice %arg5[%dma_start3A_50, %dma_start3A_56] : memref<128x200xi32, #tpu.memory_space<vmem>> -> memref<1x200xi32, #tpu.memory_space<vmem>>
    %dma_start3A_58 = tpu.memref_squeeze %dma_start3A_57 : memref<1x200xi32, #tpu.memory_space<vmem>> -> memref<200xi32, #tpu.memory_space<vmem>>
    %dma_start3A_59 = arith.constant 0 : i32
    %dma_start3A_60 = arith.constant 0 : i32
    %dma_start3A_61 = tpu.memref_slice %arg3[%dma_start3A_59, %dma_start3A_60] : memref<1000000x16xf32, #tpu.memory_space<hbm>> -> memref<1000000x16xf32, #tpu.memory_space<hbm>>
    tpu.enqueue_indirect_dma source(%dma_start3A_61 : memref<1000000x16xf32, #tpu.memory_space<hbm>>) target(%dma_start3A_55 : memref<200x16xf32, #tpu.memory_space<vmem>>) offsets(%dma_start3A_58 : memref<200xi32, #tpu.memory_space<vmem>>) semaphore(%arg8 : memref<!tpu.dma_semaphore, #tpu.memory_space<semaphore_mem>>)
    %dma_start3A_62 = arith.constant 5 : i32
    %dma_start3A_63 = arith.constant 5 : i32
    %dma_start3A_64 = arith.constant 0 : i32
    %dma_start3A_65 = arith.constant 0 : i32
    %dma_start3A_66 = tpu.memref_slice %arg6[%dma_start3A_63, %dma_start3A_64, %dma_start3A_65] : memref<8x200x16xf32, #tpu.memory_space<vmem>> -> memref<1x200x16xf32, #tpu.memory_space<vmem>>
    %dma_start3A_67 = tpu.memref_squeeze %dma_start3A_66 : memref<1x200x16xf32, #tpu.memory_space<vmem>> -> memref<200x16xf32, #tpu.memory_space<vmem>>
    %dma_start3A_68 = arith.constant 0 : i32
    %dma_start3A_69 = tpu.memref_slice %arg5[%dma_start3A_62, %dma_start3A_68] : memref<128x200xi32, #tpu.memory_space<vmem>> -> memref<1x200xi32, #tpu.memory_space<vmem>>
    %dma_start3A_70 = tpu.memref_squeeze %dma_start3A_69 : memref<1x200xi32, #tpu.memory_space<vmem>> -> memref<200xi32, #tpu.memory_space<vmem>>
    %dma_start3A_71 = arith.constant 0 : i32
    %dma_start3A_72 = arith.constant 0 : i32
    %dma_start3A_73 = tpu.memref_slice %arg3[%dma_start3A_71, %dma_start3A_72] : memref<1000000x16xf32, #tpu.memory_space<hbm>> -> memref<1000000x16xf32, #tpu.memory_space<hbm>>
    tpu.enqueue_indirect_dma source(%dma_start3A_73 : memref<1000000x16xf32, #tpu.memory_space<hbm>>) target(%dma_start3A_67 : memref<200x16xf32, #tpu.memory_space<vmem>>) offsets(%dma_start3A_70 : memref<200xi32, #tpu.memory_space<vmem>>) semaphore(%arg8 : memref<!tpu.dma_semaphore, #tpu.memory_space<semaphore_mem>>)
    %dma_start3A_74 = arith.constant 6 : i32
    %dma_start3A_75 = arith.constant 6 : i32
    %dma_start3A_76 = arith.constant 0 : i32
    %dma_start3A_77 = arith.constant 0 : i32
    %dma_start3A_78 = tpu.memref_slice %arg6[%dma_start3A_75, %dma_start3A_76, %dma_start3A_77] : memref<8x200x16xf32, #tpu.memory_space<vmem>> -> memref<1x200x16xf32, #tpu.memory_space<vmem>>
    %dma_start3A_79 = tpu.memref_squeeze %dma_start3A_78 : memref<1x200x16xf32, #tpu.memory_space<vmem>> -> memref<200x16xf32, #tpu.memory_space<vmem>>
    %dma_start3A_80 = arith.constant 0 : i32
    %dma_start3A_81 = tpu.memref_slice %arg5[%dma_start3A_74, %dma_start3A_80] : memref<128x200xi32, #tpu.memory_space<vmem>> -> memref<1x200xi32, #tpu.memory_space<vmem>>
    %dma_start3A_82 = tpu.memref_squeeze %dma_start3A_81 : memref<1x200xi32, #tpu.memory_space<vmem>> -> memref<200xi32, #tpu.memory_space<vmem>>
    %dma_start3A_83 = arith.constant 0 : i32
    %dma_start3A_84 = arith.constant 0 : i32
    %dma_start3A_85 = tpu.memref_slice %arg3[%dma_start3A_83, %dma_start3A_84] : memref<1000000x16xf32, #tpu.memory_space<hbm>> -> memref<1000000x16xf32, #tpu.memory_space<hbm>>
    tpu.enqueue_indirect_dma source(%dma_start3A_85 : memref<1000000x16xf32, #tpu.memory_space<hbm>>) target(%dma_start3A_79 : memref<200x16xf32, #tpu.memory_space<vmem>>) offsets(%dma_start3A_82 : memref<200xi32, #tpu.memory_space<vmem>>) semaphore(%arg8 : memref<!tpu.dma_semaphore, #tpu.memory_space<semaphore_mem>>)
    %dma_start3A_86 = arith.constant 7 : i32
    %dma_start3A_87 = arith.constant 7 : i32
    %dma_start3A_88 = arith.constant 0 : i32
    %dma_start3A_89 = arith.constant 0 : i32
    %dma_start3A_90 = tpu.memref_slice %arg6[%dma_start3A_87, %dma_start3A_88, %dma_start3A_89] : memref<8x200x16xf32, #tpu.memory_space<vmem>> -> memref<1x200x16xf32, #tpu.memory_space<vmem>>
    %dma_start3A_91 = tpu.memref_squeeze %dma_start3A_90 : memref<1x200x16xf32, #tpu.memory_space<vmem>> -> memref<200x16xf32, #tpu.memory_space<vmem>>
    %dma_start3A_92 = arith.constant 0 : i32
    %dma_start3A_93 = tpu.memref_slice %arg5[%dma_start3A_86, %dma_start3A_92] : memref<128x200xi32, #tpu.memory_space<vmem>> -> memref<1x200xi32, #tpu.memory_space<vmem>>
    %dma_start3A_94 = tpu.memref_squeeze %dma_start3A_93 : memref<1x200xi32, #tpu.memory_space<vmem>> -> memref<200xi32, #tpu.memory_space<vmem>>
    %dma_start3A_95 = arith.constant 0 : i32
    %dma_start3A_96 = arith.constant 0 : i32
    %dma_start3A_97 = tpu.memref_slice %arg3[%dma_start3A_95, %dma_start3A_96] : memref<1000000x16xf32, #tpu.memory_space<hbm>> -> memref<1000000x16xf32, #tpu.memory_space<hbm>>
    tpu.enqueue_indirect_dma source(%dma_start3A_97 : memref<1000000x16xf32, #tpu.memory_space<hbm>>) target(%dma_start3A_91 : memref<200x16xf32, #tpu.memory_space<vmem>>) offsets(%dma_start3A_94 : memref<200xi32, #tpu.memory_space<vmem>>) semaphore(%arg8 : memref<!tpu.dma_semaphore, #tpu.memory_space<semaphore_mem>>)
    %scan3A = arith.constant 0 : i32
    %scan3A_98 = arith.constant 0 : i32
    %scan3A_99 = arith.constant 8 : i32
    %scan3A_100 = arith.addi %scan3A_98, %scan3A_99 : i32
    %scan3A_101 = arith.constant 1 : i32
    %scan3A_102 = scf.for %scan3A_119 = %scan3A_98 to %scan3A_100 step %scan3A_101 iter_args(%scan3A_120 = %scan3A) -> (i32)  : i32 {
      %mul3A_121 = arith.constant 2 : i32
      %mul3A_122 = arith.muli %mul3A_121, %scan3A_119 : i32
      %gt3A = arith.constant 0 : i32
      %gt3A_123 = arith.cmpi sgt, %scan3A_119, %gt3A : i32
      %convert_element_type3A = arith.extui %gt3A_123 : i1 to i32
      %cond3A = arith.constant 0 : i32
      %cond3A_124 = arith.cmpi ne, %convert_element_type3A, %cond3A : i32
      scf.if %cond3A_124 {
        %sub3A = arith.constant 1 : i32
        %sub3A_514 = arith.subi %mul3A_122, %sub3A : i32
        %mul3A_515 = arith.constant 8 : i32
        %mul3A_516 = arith.muli %sub3A_514, %mul3A_515 : i32
        %add3A_517 = arith.addi %mul3A_2, %mul3A_516 : i32
        %dma_wait3A_518 = arith.constant 0 : i32
        %dma_wait3A_519 = arith.constant 0 : i32
        %dma_wait3A_520 = tpu.memref_slice %arg4[%add3A_517, %dma_wait3A_518, %dma_wait3A_519] : memref<4096x200x128xf32, #tpu.memory_space<hbm>> -> memref<8x200x16xf32, #tpu.memory_space<hbm>>
        %dma_wait3A_521 = arith.constant 0 : i32
        %dma_wait3A_522 = arith.constant 0 : i32
        %dma_wait3A_523 = tpu.memref_slice %arg4[%add3A_517, %dma_wait3A_521, %dma_wait3A_522] : memref<4096x200x128xf32, #tpu.memory_space<hbm>> -> memref<8x200x16xf32, #tpu.memory_space<hbm>>
        tpu.wait_dma2 semaphore(%arg11 : memref<!tpu.dma_semaphore, #tpu.memory_space<semaphore_mem>>) src(%arg7 : memref<8x200x16xf32, #tpu.memory_space<vmem>>) dst(%dma_wait3A_523 : memref<8x200x16xf32, #tpu.memory_space<hbm>>)
      } else {
      }
      %add3A_125 = arith.constant 1 : i32
      %add3A_126 = arith.addi %mul3A_122, %add3A_125 : i32
      %mul3A_127 = arith.constant 8 : i32
      %mul3A_128 = arith.muli %add3A_126, %mul3A_127 : i32
      %add3A_129 = arith.constant 0 : i32
      %add3A_130 = arith.addi %mul3A_128, %add3A_129 : i32
      %dma_start3A_131 = arith.constant 0 : i32
      %dma_start3A_132 = arith.constant 0 : i32
      %dma_start3A_133 = arith.constant 0 : i32
      %dma_start3A_134 = tpu.memref_slice %arg7[%dma_start3A_131, %dma_start3A_132, %dma_start3A_133] : memref<8x200x16xf32, #tpu.memory_space<vmem>> -> memref<1x200x16xf32, #tpu.memory_space<vmem>>
      %dma_start3A_135 = tpu.memref_squeeze %dma_start3A_134 : memref<1x200x16xf32, #tpu.memory_space<vmem>> -> memref<200x16xf32, #tpu.memory_space<vmem>>
      %dma_start3A_136 = arith.constant 0 : i32
      %dma_start3A_137 = tpu.memref_slice %arg5[%add3A_130, %dma_start3A_136] : memref<128x200xi32, #tpu.memory_space<vmem>> -> memref<1x200xi32, #tpu.memory_space<vmem>>
      %dma_start3A_138 = tpu.memref_squeeze %dma_start3A_137 : memref<1x200xi32, #tpu.memory_space<vmem>> -> memref<200xi32, #tpu.memory_space<vmem>>
      %dma_start3A_139 = arith.constant 0 : i32
      %dma_start3A_140 = arith.constant 0 : i32
      %dma_start3A_141 = tpu.memref_slice %arg3[%dma_start3A_139, %dma_start3A_140] : memref<1000000x16xf32, #tpu.memory_space<hbm>> -> memref<1000000x16xf32, #tpu.memory_space<hbm>>
      tpu.enqueue_indirect_dma source(%dma_start3A_141 : memref<1000000x16xf32, #tpu.memory_space<hbm>>) target(%dma_start3A_135 : memref<200x16xf32, #tpu.memory_space<vmem>>) offsets(%dma_start3A_138 : memref<200xi32, #tpu.memory_space<vmem>>) semaphore(%arg9 : memref<!tpu.dma_semaphore, #tpu.memory_space<semaphore_mem>>)
      %mul3A_142 = arith.constant 8 : i32
      %mul3A_143 = arith.muli %add3A_126, %mul3A_142 : i32
      %add3A_144 = arith.constant 1 : i32
      %add3A_145 = arith.addi %mul3A_143, %add3A_144 : i32
      %dma_start3A_146 = arith.constant 1 : i32
      %dma_start3A_147 = arith.constant 0 : i32
      %dma_start3A_148 = arith.constant 0 : i32
      %dma_start3A_149 = tpu.memref_slice %arg7[%dma_start3A_146, %dma_start3A_147, %dma_start3A_148] : memref<8x200x16xf32, #tpu.memory_space<vmem>> -> memref<1x200x16xf32, #tpu.memory_space<vmem>>
      %dma_start3A_150 = tpu.memref_squeeze %dma_start3A_149 : memref<1x200x16xf32, #tpu.memory_space<vmem>> -> memref<200x16xf32, #tpu.memory_space<vmem>>
      %dma_start3A_151 = arith.constant 0 : i32
      %dma_start3A_152 = tpu.memref_slice %arg5[%add3A_145, %dma_start3A_151] : memref<128x200xi32, #tpu.memory_space<vmem>> -> memref<1x200xi32, #tpu.memory_space<vmem>>
      %dma_start3A_153 = tpu.memref_squeeze %dma_start3A_152 : memref<1x200xi32, #tpu.memory_space<vmem>> -> memref<200xi32, #tpu.memory_space<vmem>>
      %dma_start3A_154 = arith.constant 0 : i32
      %dma_start3A_155 = arith.constant 0 : i32
      %dma_start3A_156 = tpu.memref_slice %arg3[%dma_start3A_154, %dma_start3A_155] : memref<1000000x16xf32, #tpu.memory_space<hbm>> -> memref<1000000x16xf32, #tpu.memory_space<hbm>>
      tpu.enqueue_indirect_dma source(%dma_start3A_156 : memref<1000000x16xf32, #tpu.memory_space<hbm>>) target(%dma_start3A_150 : memref<200x16xf32, #tpu.memory_space<vmem>>) offsets(%dma_start3A_153 : memref<200xi32, #tpu.memory_space<vmem>>) semaphore(%arg9 : memref<!tpu.dma_semaphore, #tpu.memory_space<semaphore_mem>>)
      %mul3A_157 = arith.constant 8 : i32
      %mul3A_158 = arith.muli %add3A_126, %mul3A_157 : i32
      %add3A_159 = arith.constant 2 : i32
      %add3A_160 = arith.addi %mul3A_158, %add3A_159 : i32
      %dma_start3A_161 = arith.constant 2 : i32
      %dma_start3A_162 = arith.constant 0 : i32
      %dma_start3A_163 = arith.constant 0 : i32
      %dma_start3A_164 = tpu.memref_slice %arg7[%dma_start3A_161, %dma_start3A_162, %dma_start3A_163] : memref<8x200x16xf32, #tpu.memory_space<vmem>> -> memref<1x200x16xf32, #tpu.memory_space<vmem>>
      %dma_start3A_165 = tpu.memref_squeeze %dma_start3A_164 : memref<1x200x16xf32, #tpu.memory_space<vmem>> -> memref<200x16xf32, #tpu.memory_space<vmem>>
      %dma_start3A_166 = arith.constant 0 : i32
      %dma_start3A_167 = tpu.memref_slice %arg5[%add3A_160, %dma_start3A_166] : memref<128x200xi32, #tpu.memory_space<vmem>> -> memref<1x200xi32, #tpu.memory_space<vmem>>
      %dma_start3A_168 = tpu.memref_squeeze %dma_start3A_167 : memref<1x200xi32, #tpu.memory_space<vmem>> -> memref<200xi32, #tpu.memory_space<vmem>>
      %dma_start3A_169 = arith.constant 0 : i32
      %dma_start3A_170 = arith.constant 0 : i32
      %dma_start3A_171 = tpu.memref_slice %arg3[%dma_start3A_169, %dma_start3A_170] : memref<1000000x16xf32, #tpu.memory_space<hbm>> -> memref<1000000x16xf32, #tpu.memory_space<hbm>>
      tpu.enqueue_indirect_dma source(%dma_start3A_171 : memref<1000000x16xf32, #tpu.memory_space<hbm>>) target(%dma_start3A_165 : memref<200x16xf32, #tpu.memory_space<vmem>>) offsets(%dma_start3A_168 : memref<200xi32, #tpu.memory_space<vmem>>) semaphore(%arg9 : memref<!tpu.dma_semaphore, #tpu.memory_space<semaphore_mem>>)
      %mul3A_172 = arith.constant 8 : i32
      %mul3A_173 = arith.muli %add3A_126, %mul3A_172 : i32
      %add3A_174 = arith.constant 3 : i32
      %add3A_175 = arith.addi %mul3A_173, %add3A_174 : i32
      %dma_start3A_176 = arith.constant 3 : i32
      %dma_start3A_177 = arith.constant 0 : i32
      %dma_start3A_178 = arith.constant 0 : i32
      %dma_start3A_179 = tpu.memref_slice %arg7[%dma_start3A_176, %dma_start3A_177, %dma_start3A_178] : memref<8x200x16xf32, #tpu.memory_space<vmem>> -> memref<1x200x16xf32, #tpu.memory_space<vmem>>
      %dma_start3A_180 = tpu.memref_squeeze %dma_start3A_179 : memref<1x200x16xf32, #tpu.memory_space<vmem>> -> memref<200x16xf32, #tpu.memory_space<vmem>>
      %dma_start3A_181 = arith.constant 0 : i32
      %dma_start3A_182 = tpu.memref_slice %arg5[%add3A_175, %dma_start3A_181] : memref<128x200xi32, #tpu.memory_space<vmem>> -> memref<1x200xi32, #tpu.memory_space<vmem>>
      %dma_start3A_183 = tpu.memref_squeeze %dma_start3A_182 : memref<1x200xi32, #tpu.memory_space<vmem>> -> memref<200xi32, #tpu.memory_space<vmem>>
      %dma_start3A_184 = arith.constant 0 : i32
      %dma_start3A_185 = arith.constant 0 : i32
      %dma_start3A_186 = tpu.memref_slice %arg3[%dma_start3A_184, %dma_start3A_185] : memref<1000000x16xf32, #tpu.memory_space<hbm>> -> memref<1000000x16xf32, #tpu.memory_space<hbm>>
      tpu.enqueue_indirect_dma source(%dma_start3A_186 : memref<1000000x16xf32, #tpu.memory_space<hbm>>) target(%dma_start3A_180 : memref<200x16xf32, #tpu.memory_space<vmem>>) offsets(%dma_start3A_183 : memref<200xi32, #tpu.memory_space<vmem>>) semaphore(%arg9 : memref<!tpu.dma_semaphore, #tpu.memory_space<semaphore_mem>>)
      %mul3A_187 = arith.constant 8 : i32
      %mul3A_188 = arith.muli %add3A_126, %mul3A_187 : i32
      %add3A_189 = arith.constant 4 : i32
      %add3A_190 = arith.addi %mul3A_188, %add3A_189 : i32
      %dma_start3A_191 = arith.constant 4 : i32
      %dma_start3A_192 = arith.constant 0 : i32
      %dma_start3A_193 = arith.constant 0 : i32
      %dma_start3A_194 = tpu.memref_slice %arg7[%dma_start3A_191, %dma_start3A_192, %dma_start3A_193] : memref<8x200x16xf32, #tpu.memory_space<vmem>> -> memref<1x200x16xf32, #tpu.memory_space<vmem>>
      %dma_start3A_195 = tpu.memref_squeeze %dma_start3A_194 : memref<1x200x16xf32, #tpu.memory_space<vmem>> -> memref<200x16xf32, #tpu.memory_space<vmem>>
      %dma_start3A_196 = arith.constant 0 : i32
      %dma_start3A_197 = tpu.memref_slice %arg5[%add3A_190, %dma_start3A_196] : memref<128x200xi32, #tpu.memory_space<vmem>> -> memref<1x200xi32, #tpu.memory_space<vmem>>
      %dma_start3A_198 = tpu.memref_squeeze %dma_start3A_197 : memref<1x200xi32, #tpu.memory_space<vmem>> -> memref<200xi32, #tpu.memory_space<vmem>>
      %dma_start3A_199 = arith.constant 0 : i32
      %dma_start3A_200 = arith.constant 0 : i32
      %dma_start3A_201 = tpu.memref_slice %arg3[%dma_start3A_199, %dma_start3A_200] : memref<1000000x16xf32, #tpu.memory_space<hbm>> -> memref<1000000x16xf32, #tpu.memory_space<hbm>>
      tpu.enqueue_indirect_dma source(%dma_start3A_201 : memref<1000000x16xf32, #tpu.memory_space<hbm>>) target(%dma_start3A_195 : memref<200x16xf32, #tpu.memory_space<vmem>>) offsets(%dma_start3A_198 : memref<200xi32, #tpu.memory_space<vmem>>) semaphore(%arg9 : memref<!tpu.dma_semaphore, #tpu.memory_space<semaphore_mem>>)
      %mul3A_202 = arith.constant 8 : i32
      %mul3A_203 = arith.muli %add3A_126, %mul3A_202 : i32
      %add3A_204 = arith.constant 5 : i32
      %add3A_205 = arith.addi %mul3A_203, %add3A_204 : i32
      %dma_start3A_206 = arith.constant 5 : i32
      %dma_start3A_207 = arith.constant 0 : i32
      %dma_start3A_208 = arith.constant 0 : i32
      %dma_start3A_209 = tpu.memref_slice %arg7[%dma_start3A_206, %dma_start3A_207, %dma_start3A_208] : memref<8x200x16xf32, #tpu.memory_space<vmem>> -> memref<1x200x16xf32, #tpu.memory_space<vmem>>
      %dma_start3A_210 = tpu.memref_squeeze %dma_start3A_209 : memref<1x200x16xf32, #tpu.memory_space<vmem>> -> memref<200x16xf32, #tpu.memory_space<vmem>>
      %dma_start3A_211 = arith.constant 0 : i32
      %dma_start3A_212 = tpu.memref_slice %arg5[%add3A_205, %dma_start3A_211] : memref<128x200xi32, #tpu.memory_space<vmem>> -> memref<1x200xi32, #tpu.memory_space<vmem>>
      %dma_start3A_213 = tpu.memref_squeeze %dma_start3A_212 : memref<1x200xi32, #tpu.memory_space<vmem>> -> memref<200xi32, #tpu.memory_space<vmem>>
      %dma_start3A_214 = arith.constant 0 : i32
      %dma_start3A_215 = arith.constant 0 : i32
      %dma_start3A_216 = tpu.memref_slice %arg3[%dma_start3A_214, %dma_start3A_215] : memref<1000000x16xf32, #tpu.memory_space<hbm>> -> memref<1000000x16xf32, #tpu.memory_space<hbm>>
      tpu.enqueue_indirect_dma source(%dma_start3A_216 : memref<1000000x16xf32, #tpu.memory_space<hbm>>) target(%dma_start3A_210 : memref<200x16xf32, #tpu.memory_space<vmem>>) offsets(%dma_start3A_213 : memref<200xi32, #tpu.memory_space<vmem>>) semaphore(%arg9 : memref<!tpu.dma_semaphore, #tpu.memory_space<semaphore_mem>>)
      %mul3A_217 = arith.constant 8 : i32
      %mul3A_218 = arith.muli %add3A_126, %mul3A_217 : i32
      %add3A_219 = arith.constant 6 : i32
      %add3A_220 = arith.addi %mul3A_218, %add3A_219 : i32
      %dma_start3A_221 = arith.constant 6 : i32
      %dma_start3A_222 = arith.constant 0 : i32
      %dma_start3A_223 = arith.constant 0 : i32
      %dma_start3A_224 = tpu.memref_slice %arg7[%dma_start3A_221, %dma_start3A_222, %dma_start3A_223] : memref<8x200x16xf32, #tpu.memory_space<vmem>> -> memref<1x200x16xf32, #tpu.memory_space<vmem>>
      %dma_start3A_225 = tpu.memref_squeeze %dma_start3A_224 : memref<1x200x16xf32, #tpu.memory_space<vmem>> -> memref<200x16xf32, #tpu.memory_space<vmem>>
      %dma_start3A_226 = arith.constant 0 : i32
      %dma_start3A_227 = tpu.memref_slice %arg5[%add3A_220, %dma_start3A_226] : memref<128x200xi32, #tpu.memory_space<vmem>> -> memref<1x200xi32, #tpu.memory_space<vmem>>
      %dma_start3A_228 = tpu.memref_squeeze %dma_start3A_227 : memref<1x200xi32, #tpu.memory_space<vmem>> -> memref<200xi32, #tpu.memory_space<vmem>>
      %dma_start3A_229 = arith.constant 0 : i32
      %dma_start3A_230 = arith.constant 0 : i32
      %dma_start3A_231 = tpu.memref_slice %arg3[%dma_start3A_229, %dma_start3A_230] : memref<1000000x16xf32, #tpu.memory_space<hbm>> -> memref<1000000x16xf32, #tpu.memory_space<hbm>>
      tpu.enqueue_indirect_dma source(%dma_start3A_231 : memref<1000000x16xf32, #tpu.memory_space<hbm>>) target(%dma_start3A_225 : memref<200x16xf32, #tpu.memory_space<vmem>>) offsets(%dma_start3A_228 : memref<200xi32, #tpu.memory_space<vmem>>) semaphore(%arg9 : memref<!tpu.dma_semaphore, #tpu.memory_space<semaphore_mem>>)
      %mul3A_232 = arith.constant 8 : i32
      %mul3A_233 = arith.muli %add3A_126, %mul3A_232 : i32
      %add3A_234 = arith.constant 7 : i32
      %add3A_235 = arith.addi %mul3A_233, %add3A_234 : i32
      %dma_start3A_236 = arith.constant 7 : i32
      %dma_start3A_237 = arith.constant 0 : i32
      %dma_start3A_238 = arith.constant 0 : i32
      %dma_start3A_239 = tpu.memref_slice %arg7[%dma_start3A_236, %dma_start3A_237, %dma_start3A_238] : memref<8x200x16xf32, #tpu.memory_space<vmem>> -> memref<1x200x16xf32, #tpu.memory_space<vmem>>
      %dma_start3A_240 = tpu.memref_squeeze %dma_start3A_239 : memref<1x200x16xf32, #tpu.memory_space<vmem>> -> memref<200x16xf32, #tpu.memory_space<vmem>>
      %dma_start3A_241 = arith.constant 0 : i32
      %dma_start3A_242 = tpu.memref_slice %arg5[%add3A_235, %dma_start3A_241] : memref<128x200xi32, #tpu.memory_space<vmem>> -> memref<1x200xi32, #tpu.memory_space<vmem>>
      %dma_start3A_243 = tpu.memref_squeeze %dma_start3A_242 : memref<1x200xi32, #tpu.memory_space<vmem>> -> memref<200xi32, #tpu.memory_space<vmem>>
      %dma_start3A_244 = arith.constant 0 : i32
      %dma_start3A_245 = arith.constant 0 : i32
      %dma_start3A_246 = tpu.memref_slice %arg3[%dma_start3A_244, %dma_start3A_245] : memref<1000000x16xf32, #tpu.memory_space<hbm>> -> memref<1000000x16xf32, #tpu.memory_space<hbm>>
      tpu.enqueue_indirect_dma source(%dma_start3A_246 : memref<1000000x16xf32, #tpu.memory_space<hbm>>) target(%dma_start3A_240 : memref<200x16xf32, #tpu.memory_space<vmem>>) offsets(%dma_start3A_243 : memref<200xi32, #tpu.memory_space<vmem>>) semaphore(%arg9 : memref<!tpu.dma_semaphore, #tpu.memory_space<semaphore_mem>>)
      %mul3A_247 = arith.constant 8 : i32
      %mul3A_248 = arith.muli %mul3A_122, %mul3A_247 : i32
      %add3A_249 = arith.constant 0 : i32
      %add3A_250 = arith.addi %mul3A_248, %add3A_249 : i32
      %dma_wait3A_251 = arith.constant 0 : i32
      %dma_wait3A_252 = arith.constant 0 : i32
      %dma_wait3A_253 = arith.constant 0 : i32
      %dma_wait3A_254 = tpu.memref_slice %arg6[%dma_wait3A_251, %dma_wait3A_252, %dma_wait3A_253] : memref<8x200x16xf32, #tpu.memory_space<vmem>> -> memref<1x200x16xf32, #tpu.memory_space<vmem>>
      %dma_wait3A_255 = tpu.memref_squeeze %dma_wait3A_254 : memref<1x200x16xf32, #tpu.memory_space<vmem>> -> memref<200x16xf32, #tpu.memory_space<vmem>>
      %dma_wait3A_256 = arith.constant 0 : i32
      %dma_wait3A_257 = tpu.memref_slice %arg5[%add3A_250, %dma_wait3A_256] : memref<128x200xi32, #tpu.memory_space<vmem>> -> memref<1x200xi32, #tpu.memory_space<vmem>>
      %dma_wait3A_258 = tpu.memref_squeeze %dma_wait3A_257 : memref<1x200xi32, #tpu.memory_space<vmem>> -> memref<200xi32, #tpu.memory_space<vmem>>
      %dma_wait3A_259 = arith.constant 0 : i32
      %dma_wait3A_260 = arith.constant 0 : i32
      %dma_wait3A_261 = tpu.memref_slice %arg3[%dma_wait3A_259, %dma_wait3A_260] : memref<1000000x16xf32, #tpu.memory_space<hbm>> -> memref<1000000x16xf32, #tpu.memory_space<hbm>>
      tpu.wait_indirect_dma semaphore(%arg8 : memref<!tpu.dma_semaphore, #tpu.memory_space<semaphore_mem>>) src(%dma_wait3A_261 : memref<1000000x16xf32, #tpu.memory_space<hbm>>) dst(%dma_wait3A_255 : memref<200x16xf32, #tpu.memory_space<vmem>>)
      %mul3A_262 = arith.constant 8 : i32
      %mul3A_263 = arith.muli %mul3A_122, %mul3A_262 : i32
      %add3A_264 = arith.constant 1 : i32
      %add3A_265 = arith.addi %mul3A_263, %add3A_264 : i32
      %dma_wait3A_266 = arith.constant 1 : i32
      %dma_wait3A_267 = arith.constant 0 : i32
      %dma_wait3A_268 = arith.constant 0 : i32
      %dma_wait3A_269 = tpu.memref_slice %arg6[%dma_wait3A_266, %dma_wait3A_267, %dma_wait3A_268] : memref<8x200x16xf32, #tpu.memory_space<vmem>> -> memref<1x200x16xf32, #tpu.memory_space<vmem>>
      %dma_wait3A_270 = tpu.memref_squeeze %dma_wait3A_269 : memref<1x200x16xf32, #tpu.memory_space<vmem>> -> memref<200x16xf32, #tpu.memory_space<vmem>>
      %dma_wait3A_271 = arith.constant 0 : i32
      %dma_wait3A_272 = tpu.memref_slice %arg5[%add3A_265, %dma_wait3A_271] : memref<128x200xi32, #tpu.memory_space<vmem>> -> memref<1x200xi32, #tpu.memory_space<vmem>>
      %dma_wait3A_273 = tpu.memref_squeeze %dma_wait3A_272 : memref<1x200xi32, #tpu.memory_space<vmem>> -> memref<200xi32, #tpu.memory_space<vmem>>
      %dma_wait3A_274 = arith.constant 0 : i32
      %dma_wait3A_275 = arith.constant 0 : i32
      %dma_wait3A_276 = tpu.memref_slice %arg3[%dma_wait3A_274, %dma_wait3A_275] : memref<1000000x16xf32, #tpu.memory_space<hbm>> -> memref<1000000x16xf32, #tpu.memory_space<hbm>>
      tpu.wait_indirect_dma semaphore(%arg8 : memref<!tpu.dma_semaphore, #tpu.memory_space<semaphore_mem>>) src(%dma_wait3A_276 : memref<1000000x16xf32, #tpu.memory_space<hbm>>) dst(%dma_wait3A_270 : memref<200x16xf32, #tpu.memory_space<vmem>>)
      %mul3A_277 = arith.constant 8 : i32
      %mul3A_278 = arith.muli %mul3A_122, %mul3A_277 : i32
      %add3A_279 = arith.constant 2 : i32
      %add3A_280 = arith.addi %mul3A_278, %add3A_279 : i32
      %dma_wait3A_281 = arith.constant 2 : i32
      %dma_wait3A_282 = arith.constant 0 : i32
      %dma_wait3A_283 = arith.constant 0 : i32
      %dma_wait3A_284 = tpu.memref_slice %arg6[%dma_wait3A_281, %dma_wait3A_282, %dma_wait3A_283] : memref<8x200x16xf32, #tpu.memory_space<vmem>> -> memref<1x200x16xf32, #tpu.memory_space<vmem>>
      %dma_wait3A_285 = tpu.memref_squeeze %dma_wait3A_284 : memref<1x200x16xf32, #tpu.memory_space<vmem>> -> memref<200x16xf32, #tpu.memory_space<vmem>>
      %dma_wait3A_286 = arith.constant 0 : i32
      %dma_wait3A_287 = tpu.memref_slice %arg5[%add3A_280, %dma_wait3A_286] : memref<128x200xi32, #tpu.memory_space<vmem>> -> memref<1x200xi32, #tpu.memory_space<vmem>>
      %dma_wait3A_288 = tpu.memref_squeeze %dma_wait3A_287 : memref<1x200xi32, #tpu.memory_space<vmem>> -> memref<200xi32, #tpu.memory_space<vmem>>
      %dma_wait3A_289 = arith.constant 0 : i32
      %dma_wait3A_290 = arith.constant 0 : i32
      %dma_wait3A_291 = tpu.memref_slice %arg3[%dma_wait3A_289, %dma_wait3A_290] : memref<1000000x16xf32, #tpu.memory_space<hbm>> -> memref<1000000x16xf32, #tpu.memory_space<hbm>>
      tpu.wait_indirect_dma semaphore(%arg8 : memref<!tpu.dma_semaphore, #tpu.memory_space<semaphore_mem>>) src(%dma_wait3A_291 : memref<1000000x16xf32, #tpu.memory_space<hbm>>) dst(%dma_wait3A_285 : memref<200x16xf32, #tpu.memory_space<vmem>>)
      %mul3A_292 = arith.constant 8 : i32
      %mul3A_293 = arith.muli %mul3A_122, %mul3A_292 : i32
      %add3A_294 = arith.constant 3 : i32
      %add3A_295 = arith.addi %mul3A_293, %add3A_294 : i32
      %dma_wait3A_296 = arith.constant 3 : i32
      %dma_wait3A_297 = arith.constant 0 : i32
      %dma_wait3A_298 = arith.constant 0 : i32
      %dma_wait3A_299 = tpu.memref_slice %arg6[%dma_wait3A_296, %dma_wait3A_297, %dma_wait3A_298] : memref<8x200x16xf32, #tpu.memory_space<vmem>> -> memref<1x200x16xf32, #tpu.memory_space<vmem>>
      %dma_wait3A_300 = tpu.memref_squeeze %dma_wait3A_299 : memref<1x200x16xf32, #tpu.memory_space<vmem>> -> memref<200x16xf32, #tpu.memory_space<vmem>>
      %dma_wait3A_301 = arith.constant 0 : i32
      %dma_wait3A_302 = tpu.memref_slice %arg5[%add3A_295, %dma_wait3A_301] : memref<128x200xi32, #tpu.memory_space<vmem>> -> memref<1x200xi32, #tpu.memory_space<vmem>>
      %dma_wait3A_303 = tpu.memref_squeeze %dma_wait3A_302 : memref<1x200xi32, #tpu.memory_space<vmem>> -> memref<200xi32, #tpu.memory_space<vmem>>
      %dma_wait3A_304 = arith.constant 0 : i32
      %dma_wait3A_305 = arith.constant 0 : i32
      %dma_wait3A_306 = tpu.memref_slice %arg3[%dma_wait3A_304, %dma_wait3A_305] : memref<1000000x16xf32, #tpu.memory_space<hbm>> -> memref<1000000x16xf32, #tpu.memory_space<hbm>>
      tpu.wait_indirect_dma semaphore(%arg8 : memref<!tpu.dma_semaphore, #tpu.memory_space<semaphore_mem>>) src(%dma_wait3A_306 : memref<1000000x16xf32, #tpu.memory_space<hbm>>) dst(%dma_wait3A_300 : memref<200x16xf32, #tpu.memory_space<vmem>>)
      %mul3A_307 = arith.constant 8 : i32
      %mul3A_308 = arith.muli %mul3A_122, %mul3A_307 : i32
      %add3A_309 = arith.constant 4 : i32
      %add3A_310 = arith.addi %mul3A_308, %add3A_309 : i32
      %dma_wait3A_311 = arith.constant 4 : i32
      %dma_wait3A_312 = arith.constant 0 : i32
      %dma_wait3A_313 = arith.constant 0 : i32
      %dma_wait3A_314 = tpu.memref_slice %arg6[%dma_wait3A_311, %dma_wait3A_312, %dma_wait3A_313] : memref<8x200x16xf32, #tpu.memory_space<vmem>> -> memref<1x200x16xf32, #tpu.memory_space<vmem>>
      %dma_wait3A_315 = tpu.memref_squeeze %dma_wait3A_314 : memref<1x200x16xf32, #tpu.memory_space<vmem>> -> memref<200x16xf32, #tpu.memory_space<vmem>>
      %dma_wait3A_316 = arith.constant 0 : i32
      %dma_wait3A_317 = tpu.memref_slice %arg5[%add3A_310, %dma_wait3A_316] : memref<128x200xi32, #tpu.memory_space<vmem>> -> memref<1x200xi32, #tpu.memory_space<vmem>>
      %dma_wait3A_318 = tpu.memref_squeeze %dma_wait3A_317 : memref<1x200xi32, #tpu.memory_space<vmem>> -> memref<200xi32, #tpu.memory_space<vmem>>
      %dma_wait3A_319 = arith.constant 0 : i32
      %dma_wait3A_320 = arith.constant 0 : i32
      %dma_wait3A_321 = tpu.memref_slice %arg3[%dma_wait3A_319, %dma_wait3A_320] : memref<1000000x16xf32, #tpu.memory_space<hbm>> -> memref<1000000x16xf32, #tpu.memory_space<hbm>>
      tpu.wait_indirect_dma semaphore(%arg8 : memref<!tpu.dma_semaphore, #tpu.memory_space<semaphore_mem>>) src(%dma_wait3A_321 : memref<1000000x16xf32, #tpu.memory_space<hbm>>) dst(%dma_wait3A_315 : memref<200x16xf32, #tpu.memory_space<vmem>>)
      %mul3A_322 = arith.constant 8 : i32
      %mul3A_323 = arith.muli %mul3A_122, %mul3A_322 : i32
      %add3A_324 = arith.constant 5 : i32
      %add3A_325 = arith.addi %mul3A_323, %add3A_324 : i32
      %dma_wait3A_326 = arith.constant 5 : i32
      %dma_wait3A_327 = arith.constant 0 : i32
      %dma_wait3A_328 = arith.constant 0 : i32
      %dma_wait3A_329 = tpu.memref_slice %arg6[%dma_wait3A_326, %dma_wait3A_327, %dma_wait3A_328] : memref<8x200x16xf32, #tpu.memory_space<vmem>> -> memref<1x200x16xf32, #tpu.memory_space<vmem>>
      %dma_wait3A_330 = tpu.memref_squeeze %dma_wait3A_329 : memref<1x200x16xf32, #tpu.memory_space<vmem>> -> memref<200x16xf32, #tpu.memory_space<vmem>>
      %dma_wait3A_331 = arith.constant 0 : i32
      %dma_wait3A_332 = tpu.memref_slice %arg5[%add3A_325, %dma_wait3A_331] : memref<128x200xi32, #tpu.memory_space<vmem>> -> memref<1x200xi32, #tpu.memory_space<vmem>>
      %dma_wait3A_333 = tpu.memref_squeeze %dma_wait3A_332 : memref<1x200xi32, #tpu.memory_space<vmem>> -> memref<200xi32, #tpu.memory_space<vmem>>
      %dma_wait3A_334 = arith.constant 0 : i32
      %dma_wait3A_335 = arith.constant 0 : i32
      %dma_wait3A_336 = tpu.memref_slice %arg3[%dma_wait3A_334, %dma_wait3A_335] : memref<1000000x16xf32, #tpu.memory_space<hbm>> -> memref<1000000x16xf32, #tpu.memory_space<hbm>>
      tpu.wait_indirect_dma semaphore(%arg8 : memref<!tpu.dma_semaphore, #tpu.memory_space<semaphore_mem>>) src(%dma_wait3A_336 : memref<1000000x16xf32, #tpu.memory_space<hbm>>) dst(%dma_wait3A_330 : memref<200x16xf32, #tpu.memory_space<vmem>>)
      %mul3A_337 = arith.constant 8 : i32
      %mul3A_338 = arith.muli %mul3A_122, %mul3A_337 : i32
      %add3A_339 = arith.constant 6 : i32
      %add3A_340 = arith.addi %mul3A_338, %add3A_339 : i32
      %dma_wait3A_341 = arith.constant 6 : i32
      %dma_wait3A_342 = arith.constant 0 : i32
      %dma_wait3A_343 = arith.constant 0 : i32
      %dma_wait3A_344 = tpu.memref_slice %arg6[%dma_wait3A_341, %dma_wait3A_342, %dma_wait3A_343] : memref<8x200x16xf32, #tpu.memory_space<vmem>> -> memref<1x200x16xf32, #tpu.memory_space<vmem>>
      %dma_wait3A_345 = tpu.memref_squeeze %dma_wait3A_344 : memref<1x200x16xf32, #tpu.memory_space<vmem>> -> memref<200x16xf32, #tpu.memory_space<vmem>>
      %dma_wait3A_346 = arith.constant 0 : i32
      %dma_wait3A_347 = tpu.memref_slice %arg5[%add3A_340, %dma_wait3A_346] : memref<128x200xi32, #tpu.memory_space<vmem>> -> memref<1x200xi32, #tpu.memory_space<vmem>>
      %dma_wait3A_348 = tpu.memref_squeeze %dma_wait3A_347 : memref<1x200xi32, #tpu.memory_space<vmem>> -> memref<200xi32, #tpu.memory_space<vmem>>
      %dma_wait3A_349 = arith.constant 0 : i32
      %dma_wait3A_350 = arith.constant 0 : i32
      %dma_wait3A_351 = tpu.memref_slice %arg3[%dma_wait3A_349, %dma_wait3A_350] : memref<1000000x16xf32, #tpu.memory_space<hbm>> -> memref<1000000x16xf32, #tpu.memory_space<hbm>>
      tpu.wait_indirect_dma semaphore(%arg8 : memref<!tpu.dma_semaphore, #tpu.memory_space<semaphore_mem>>) src(%dma_wait3A_351 : memref<1000000x16xf32, #tpu.memory_space<hbm>>) dst(%dma_wait3A_345 : memref<200x16xf32, #tpu.memory_space<vmem>>)
      %mul3A_352 = arith.constant 8 : i32
      %mul3A_353 = arith.muli %mul3A_122, %mul3A_352 : i32
      %add3A_354 = arith.constant 7 : i32
      %add3A_355 = arith.addi %mul3A_353, %add3A_354 : i32
      %dma_wait3A_356 = arith.constant 7 : i32
      %dma_wait3A_357 = arith.constant 0 : i32
      %dma_wait3A_358 = arith.constant 0 : i32
      %dma_wait3A_359 = tpu.memref_slice %arg6[%dma_wait3A_356, %dma_wait3A_357, %dma_wait3A_358] : memref<8x200x16xf32, #tpu.memory_space<vmem>> -> memref<1x200x16xf32, #tpu.memory_space<vmem>>
      %dma_wait3A_360 = tpu.memref_squeeze %dma_wait3A_359 : memref<1x200x16xf32, #tpu.memory_space<vmem>> -> memref<200x16xf32, #tpu.memory_space<vmem>>
      %dma_wait3A_361 = arith.constant 0 : i32
      %dma_wait3A_362 = tpu.memref_slice %arg5[%add3A_355, %dma_wait3A_361] : memref<128x200xi32, #tpu.memory_space<vmem>> -> memref<1x200xi32, #tpu.memory_space<vmem>>
      %dma_wait3A_363 = tpu.memref_squeeze %dma_wait3A_362 : memref<1x200xi32, #tpu.memory_space<vmem>> -> memref<200xi32, #tpu.memory_space<vmem>>
      %dma_wait3A_364 = arith.constant 0 : i32
      %dma_wait3A_365 = arith.constant 0 : i32
      %dma_wait3A_366 = tpu.memref_slice %arg3[%dma_wait3A_364, %dma_wait3A_365] : memref<1000000x16xf32, #tpu.memory_space<hbm>> -> memref<1000000x16xf32, #tpu.memory_space<hbm>>
      tpu.wait_indirect_dma semaphore(%arg8 : memref<!tpu.dma_semaphore, #tpu.memory_space<semaphore_mem>>) src(%dma_wait3A_366 : memref<1000000x16xf32, #tpu.memory_space<hbm>>) dst(%dma_wait3A_360 : memref<200x16xf32, #tpu.memory_space<vmem>>)
      %mul3A_367 = arith.constant 8 : i32
      %mul3A_368 = arith.muli %mul3A_122, %mul3A_367 : i32
      %add3A_369 = arith.addi %mul3A_2, %mul3A_368 : i32
      %dma_start3A_370 = arith.constant 0 : i32
      %dma_start3A_371 = arith.constant 0 : i32
      %dma_start3A_372 = tpu.memref_slice %arg4[%add3A_369, %dma_start3A_370, %dma_start3A_371] : memref<4096x200x128xf32, #tpu.memory_space<hbm>> -> memref<8x200x16xf32, #tpu.memory_space<hbm>>
      %dma_start3A_373 = arith.constant 0 : i32
      %dma_start3A_374 = arith.constant 0 : i32
      %dma_start3A_375 = tpu.memref_slice %arg4[%add3A_369, %dma_start3A_373, %dma_start3A_374] : memref<4096x200x128xf32, #tpu.memory_space<hbm>> -> memref<8x200x16xf32, #tpu.memory_space<hbm>>
      tpu.enqueue_dma source(%arg6 : memref<8x200x16xf32, #tpu.memory_space<vmem>>) target(%dma_start3A_375 : memref<8x200x16xf32, #tpu.memory_space<hbm>>) target_semaphore(%arg10 : memref<!tpu.dma_semaphore, #tpu.memory_space<semaphore_mem>>)
      %lt3A = arith.constant 7 : i32
      %lt3A_376 = arith.cmpi slt, %scan3A_119, %lt3A : i32
      %convert_element_type3A_377 = arith.extui %lt3A_376 : i1 to i32
      %cond3A_378 = arith.constant 0 : i32
      %cond3A_379 = arith.cmpi ne, %convert_element_type3A_377, %cond3A_378 : i32
      scf.if %cond3A_379 {
        %mul3A_514 = arith.constant 8 : i32
        %mul3A_515 = arith.muli %mul3A_122, %mul3A_514 : i32
        %add3A_516 = arith.addi %mul3A_2, %mul3A_515 : i32
        %dma_wait3A_517 = arith.constant 0 : i32
        %dma_wait3A_518 = arith.constant 0 : i32
        %dma_wait3A_519 = tpu.memref_slice %arg4[%add3A_516, %dma_wait3A_517, %dma_wait3A_518] : memref<4096x200x128xf32, #tpu.memory_space<hbm>> -> memref<8x200x16xf32, #tpu.memory_space<hbm>>
        %dma_wait3A_520 = arith.constant 0 : i32
        %dma_wait3A_521 = arith.constant 0 : i32
        %dma_wait3A_522 = tpu.memref_slice %arg4[%add3A_516, %dma_wait3A_520, %dma_wait3A_521] : memref<4096x200x128xf32, #tpu.memory_space<hbm>> -> memref<8x200x16xf32, #tpu.memory_space<hbm>>
        tpu.wait_dma2 semaphore(%arg10 : memref<!tpu.dma_semaphore, #tpu.memory_space<semaphore_mem>>) src(%arg6 : memref<8x200x16xf32, #tpu.memory_space<vmem>>) dst(%dma_wait3A_522 : memref<8x200x16xf32, #tpu.memory_space<hbm>>)
        %add3A_523 = arith.constant 2 : i32
        %add3A_524 = arith.addi %mul3A_122, %add3A_523 : i32
        %mul3A_525 = arith.constant 8 : i32
        %mul3A_526 = arith.muli %add3A_524, %mul3A_525 : i32
        %add3A_527 = arith.constant 0 : i32
        %add3A_528 = arith.addi %mul3A_526, %add3A_527 : i32
        %dma_start3A_529 = arith.constant 0 : i32
        %dma_start3A_530 = arith.constant 0 : i32
        %dma_start3A_531 = arith.constant 0 : i32
        %dma_start3A_532 = tpu.memref_slice %arg6[%dma_start3A_529, %dma_start3A_530, %dma_start3A_531] : memref<8x200x16xf32, #tpu.memory_space<vmem>> -> memref<1x200x16xf32, #tpu.memory_space<vmem>>
        %dma_start3A_533 = tpu.memref_squeeze %dma_start3A_532 : memref<1x200x16xf32, #tpu.memory_space<vmem>> -> memref<200x16xf32, #tpu.memory_space<vmem>>
        %dma_start3A_534 = arith.constant 0 : i32
        %dma_start3A_535 = tpu.memref_slice %arg5[%add3A_528, %dma_start3A_534] : memref<128x200xi32, #tpu.memory_space<vmem>> -> memref<1x200xi32, #tpu.memory_space<vmem>>
        %dma_start3A_536 = tpu.memref_squeeze %dma_start3A_535 : memref<1x200xi32, #tpu.memory_space<vmem>> -> memref<200xi32, #tpu.memory_space<vmem>>
        %dma_start3A_537 = arith.constant 0 : i32
        %dma_start3A_538 = arith.constant 0 : i32
        %dma_start3A_539 = tpu.memref_slice %arg3[%dma_start3A_537, %dma_start3A_538] : memref<1000000x16xf32, #tpu.memory_space<hbm>> -> memref<1000000x16xf32, #tpu.memory_space<hbm>>
        tpu.enqueue_indirect_dma source(%dma_start3A_539 : memref<1000000x16xf32, #tpu.memory_space<hbm>>) target(%dma_start3A_533 : memref<200x16xf32, #tpu.memory_space<vmem>>) offsets(%dma_start3A_536 : memref<200xi32, #tpu.memory_space<vmem>>) semaphore(%arg8 : memref<!tpu.dma_semaphore, #tpu.memory_space<semaphore_mem>>)
        %mul3A_540 = arith.constant 8 : i32
        %mul3A_541 = arith.muli %add3A_524, %mul3A_540 : i32
        %add3A_542 = arith.constant 1 : i32
        %add3A_543 = arith.addi %mul3A_541, %add3A_542 : i32
        %dma_start3A_544 = arith.constant 1 : i32
        %dma_start3A_545 = arith.constant 0 : i32
        %dma_start3A_546 = arith.constant 0 : i32
        %dma_start3A_547 = tpu.memref_slice %arg6[%dma_start3A_544, %dma_start3A_545, %dma_start3A_546] : memref<8x200x16xf32, #tpu.memory_space<vmem>> -> memref<1x200x16xf32, #tpu.memory_space<vmem>>
        %dma_start3A_548 = tpu.memref_squeeze %dma_start3A_547 : memref<1x200x16xf32, #tpu.memory_space<vmem>> -> memref<200x16xf32, #tpu.memory_space<vmem>>
        %dma_start3A_549 = arith.constant 0 : i32
        %dma_start3A_550 = tpu.memref_slice %arg5[%add3A_543, %dma_start3A_549] : memref<128x200xi32, #tpu.memory_space<vmem>> -> memref<1x200xi32, #tpu.memory_space<vmem>>
        %dma_start3A_551 = tpu.memref_squeeze %dma_start3A_550 : memref<1x200xi32, #tpu.memory_space<vmem>> -> memref<200xi32, #tpu.memory_space<vmem>>
        %dma_start3A_552 = arith.constant 0 : i32
        %dma_start3A_553 = arith.constant 0 : i32
        %dma_start3A_554 = tpu.memref_slice %arg3[%dma_start3A_552, %dma_start3A_553] : memref<1000000x16xf32, #tpu.memory_space<hbm>> -> memref<1000000x16xf32, #tpu.memory_space<hbm>>
        tpu.enqueue_indirect_dma source(%dma_start3A_554 : memref<1000000x16xf32, #tpu.memory_space<hbm>>) target(%dma_start3A_548 : memref<200x16xf32, #tpu.memory_space<vmem>>) offsets(%dma_start3A_551 : memref<200xi32, #tpu.memory_space<vmem>>) semaphore(%arg8 : memref<!tpu.dma_semaphore, #tpu.memory_space<semaphore_mem>>)
        %mul3A_555 = arith.constant 8 : i32
        %mul3A_556 = arith.muli %add3A_524, %mul3A_555 : i32
        %add3A_557 = arith.constant 2 : i32
        %add3A_558 = arith.addi %mul3A_556, %add3A_557 : i32
        %dma_start3A_559 = arith.constant 2 : i32
        %dma_start3A_560 = arith.constant 0 : i32
        %dma_start3A_561 = arith.constant 0 : i32
        %dma_start3A_562 = tpu.memref_slice %arg6[%dma_start3A_559, %dma_start3A_560, %dma_start3A_561] : memref<8x200x16xf32, #tpu.memory_space<vmem>> -> memref<1x200x16xf32, #tpu.memory_space<vmem>>
        %dma_start3A_563 = tpu.memref_squeeze %dma_start3A_562 : memref<1x200x16xf32, #tpu.memory_space<vmem>> -> memref<200x16xf32, #tpu.memory_space<vmem>>
        %dma_start3A_564 = arith.constant 0 : i32
        %dma_start3A_565 = tpu.memref_slice %arg5[%add3A_558, %dma_start3A_564] : memref<128x200xi32, #tpu.memory_space<vmem>> -> memref<1x200xi32, #tpu.memory_space<vmem>>
        %dma_start3A_566 = tpu.memref_squeeze %dma_start3A_565 : memref<1x200xi32, #tpu.memory_space<vmem>> -> memref<200xi32, #tpu.memory_space<vmem>>
        %dma_start3A_567 = arith.constant 0 : i32
        %dma_start3A_568 = arith.constant 0 : i32
        %dma_start3A_569 = tpu.memref_slice %arg3[%dma_start3A_567, %dma_start3A_568] : memref<1000000x16xf32, #tpu.memory_space<hbm>> -> memref<1000000x16xf32, #tpu.memory_space<hbm>>
        tpu.enqueue_indirect_dma source(%dma_start3A_569 : memref<1000000x16xf32, #tpu.memory_space<hbm>>) target(%dma_start3A_563 : memref<200x16xf32, #tpu.memory_space<vmem>>) offsets(%dma_start3A_566 : memref<200xi32, #tpu.memory_space<vmem>>) semaphore(%arg8 : memref<!tpu.dma_semaphore, #tpu.memory_space<semaphore_mem>>)
        %mul3A_570 = arith.constant 8 : i32
        %mul3A_571 = arith.muli %add3A_524, %mul3A_570 : i32
        %add3A_572 = arith.constant 3 : i32
        %add3A_573 = arith.addi %mul3A_571, %add3A_572 : i32
        %dma_start3A_574 = arith.constant 3 : i32
        %dma_start3A_575 = arith.constant 0 : i32
        %dma_start3A_576 = arith.constant 0 : i32
        %dma_start3A_577 = tpu.memref_slice %arg6[%dma_start3A_574, %dma_start3A_575, %dma_start3A_576] : memref<8x200x16xf32, #tpu.memory_space<vmem>> -> memref<1x200x16xf32, #tpu.memory_space<vmem>>
        %dma_start3A_578 = tpu.memref_squeeze %dma_start3A_577 : memref<1x200x16xf32, #tpu.memory_space<vmem>> -> memref<200x16xf32, #tpu.memory_space<vmem>>
        %dma_start3A_579 = arith.constant 0 : i32
        %dma_start3A_580 = tpu.memref_slice %arg5[%add3A_573, %dma_start3A_579] : memref<128x200xi32, #tpu.memory_space<vmem>> -> memref<1x200xi32, #tpu.memory_space<vmem>>
        %dma_start3A_581 = tpu.memref_squeeze %dma_start3A_580 : memref<1x200xi32, #tpu.memory_space<vmem>> -> memref<200xi32, #tpu.memory_space<vmem>>
        %dma_start3A_582 = arith.constant 0 : i32
        %dma_start3A_583 = arith.constant 0 : i32
        %dma_start3A_584 = tpu.memref_slice %arg3[%dma_start3A_582, %dma_start3A_583] : memref<1000000x16xf32, #tpu.memory_space<hbm>> -> memref<1000000x16xf32, #tpu.memory_space<hbm>>
        tpu.enqueue_indirect_dma source(%dma_start3A_584 : memref<1000000x16xf32, #tpu.memory_space<hbm>>) target(%dma_start3A_578 : memref<200x16xf32, #tpu.memory_space<vmem>>) offsets(%dma_start3A_581 : memref<200xi32, #tpu.memory_space<vmem>>) semaphore(%arg8 : memref<!tpu.dma_semaphore, #tpu.memory_space<semaphore_mem>>)
        %mul3A_585 = arith.constant 8 : i32
        %mul3A_586 = arith.muli %add3A_524, %mul3A_585 : i32
        %add3A_587 = arith.constant 4 : i32
        %add3A_588 = arith.addi %mul3A_586, %add3A_587 : i32
        %dma_start3A_589 = arith.constant 4 : i32
        %dma_start3A_590 = arith.constant 0 : i32
        %dma_start3A_591 = arith.constant 0 : i32
        %dma_start3A_592 = tpu.memref_slice %arg6[%dma_start3A_589, %dma_start3A_590, %dma_start3A_591] : memref<8x200x16xf32, #tpu.memory_space<vmem>> -> memref<1x200x16xf32, #tpu.memory_space<vmem>>
        %dma_start3A_593 = tpu.memref_squeeze %dma_start3A_592 : memref<1x200x16xf32, #tpu.memory_space<vmem>> -> memref<200x16xf32, #tpu.memory_space<vmem>>
        %dma_start3A_594 = arith.constant 0 : i32
        %dma_start3A_595 = tpu.memref_slice %arg5[%add3A_588, %dma_start3A_594] : memref<128x200xi32, #tpu.memory_space<vmem>> -> memref<1x200xi32, #tpu.memory_space<vmem>>
        %dma_start3A_596 = tpu.memref_squeeze %dma_start3A_595 : memref<1x200xi32, #tpu.memory_space<vmem>> -> memref<200xi32, #tpu.memory_space<vmem>>
        %dma_start3A_597 = arith.constant 0 : i32
        %dma_start3A_598 = arith.constant 0 : i32
        %dma_start3A_599 = tpu.memref_slice %arg3[%dma_start3A_597, %dma_start3A_598] : memref<1000000x16xf32, #tpu.memory_space<hbm>> -> memref<1000000x16xf32, #tpu.memory_space<hbm>>
        tpu.enqueue_indirect_dma source(%dma_start3A_599 : memref<1000000x16xf32, #tpu.memory_space<hbm>>) target(%dma_start3A_593 : memref<200x16xf32, #tpu.memory_space<vmem>>) offsets(%dma_start3A_596 : memref<200xi32, #tpu.memory_space<vmem>>) semaphore(%arg8 : memref<!tpu.dma_semaphore, #tpu.memory_space<semaphore_mem>>)
        %mul3A_600 = arith.constant 8 : i32
        %mul3A_601 = arith.muli %add3A_524, %mul3A_600 : i32
        %add3A_602 = arith.constant 5 : i32
        %add3A_603 = arith.addi %mul3A_601, %add3A_602 : i32
        %dma_start3A_604 = arith.constant 5 : i32
        %dma_start3A_605 = arith.constant 0 : i32
        %dma_start3A_606 = arith.constant 0 : i32
        %dma_start3A_607 = tpu.memref_slice %arg6[%dma_start3A_604, %dma_start3A_605, %dma_start3A_606] : memref<8x200x16xf32, #tpu.memory_space<vmem>> -> memref<1x200x16xf32, #tpu.memory_space<vmem>>
        %dma_start3A_608 = tpu.memref_squeeze %dma_start3A_607 : memref<1x200x16xf32, #tpu.memory_space<vmem>> -> memref<200x16xf32, #tpu.memory_space<vmem>>
        %dma_start3A_609 = arith.constant 0 : i32
        %dma_start3A_610 = tpu.memref_slice %arg5[%add3A_603, %dma_start3A_609] : memref<128x200xi32, #tpu.memory_space<vmem>> -> memref<1x200xi32, #tpu.memory_space<vmem>>
        %dma_start3A_611 = tpu.memref_squeeze %dma_start3A_610 : memref<1x200xi32, #tpu.memory_space<vmem>> -> memref<200xi32, #tpu.memory_space<vmem>>
        %dma_start3A_612 = arith.constant 0 : i32
        %dma_start3A_613 = arith.constant 0 : i32
        %dma_start3A_614 = tpu.memref_slice %arg3[%dma_start3A_612, %dma_start3A_613] : memref<1000000x16xf32, #tpu.memory_space<hbm>> -> memref<1000000x16xf32, #tpu.memory_space<hbm>>
        tpu.enqueue_indirect_dma source(%dma_start3A_614 : memref<1000000x16xf32, #tpu.memory_space<hbm>>) target(%dma_start3A_608 : memref<200x16xf32, #tpu.memory_space<vmem>>) offsets(%dma_start3A_611 : memref<200xi32, #tpu.memory_space<vmem>>) semaphore(%arg8 : memref<!tpu.dma_semaphore, #tpu.memory_space<semaphore_mem>>)
        %mul3A_615 = arith.constant 8 : i32
        %mul3A_616 = arith.muli %add3A_524, %mul3A_615 : i32
        %add3A_617 = arith.constant 6 : i32
        %add3A_618 = arith.addi %mul3A_616, %add3A_617 : i32
        %dma_start3A_619 = arith.constant 6 : i32
        %dma_start3A_620 = arith.constant 0 : i32
        %dma_start3A_621 = arith.constant 0 : i32
        %dma_start3A_622 = tpu.memref_slice %arg6[%dma_start3A_619, %dma_start3A_620, %dma_start3A_621] : memref<8x200x16xf32, #tpu.memory_space<vmem>> -> memref<1x200x16xf32, #tpu.memory_space<vmem>>
        %dma_start3A_623 = tpu.memref_squeeze %dma_start3A_622 : memref<1x200x16xf32, #tpu.memory_space<vmem>> -> memref<200x16xf32, #tpu.memory_space<vmem>>
        %dma_start3A_624 = arith.constant 0 : i32
        %dma_start3A_625 = tpu.memref_slice %arg5[%add3A_618, %dma_start3A_624] : memref<128x200xi32, #tpu.memory_space<vmem>> -> memref<1x200xi32, #tpu.memory_space<vmem>>
        %dma_start3A_626 = tpu.memref_squeeze %dma_start3A_625 : memref<1x200xi32, #tpu.memory_space<vmem>> -> memref<200xi32, #tpu.memory_space<vmem>>
        %dma_start3A_627 = arith.constant 0 : i32
        %dma_start3A_628 = arith.constant 0 : i32
        %dma_start3A_629 = tpu.memref_slice %arg3[%dma_start3A_627, %dma_start3A_628] : memref<1000000x16xf32, #tpu.memory_space<hbm>> -> memref<1000000x16xf32, #tpu.memory_space<hbm>>
        tpu.enqueue_indirect_dma source(%dma_start3A_629 : memref<1000000x16xf32, #tpu.memory_space<hbm>>) target(%dma_start3A_623 : memref<200x16xf32, #tpu.memory_space<vmem>>) offsets(%dma_start3A_626 : memref<200xi32, #tpu.memory_space<vmem>>) semaphore(%arg8 : memref<!tpu.dma_semaphore, #tpu.memory_space<semaphore_mem>>)
        %mul3A_630 = arith.constant 8 : i32
        %mul3A_631 = arith.muli %add3A_524, %mul3A_630 : i32
        %add3A_632 = arith.constant 7 : i32
        %add3A_633 = arith.addi %mul3A_631, %add3A_632 : i32
        %dma_start3A_634 = arith.constant 7 : i32
        %dma_start3A_635 = arith.constant 0 : i32
        %dma_start3A_636 = arith.constant 0 : i32
        %dma_start3A_637 = tpu.memref_slice %arg6[%dma_start3A_634, %dma_start3A_635, %dma_start3A_636] : memref<8x200x16xf32, #tpu.memory_space<vmem>> -> memref<1x200x16xf32, #tpu.memory_space<vmem>>
        %dma_start3A_638 = tpu.memref_squeeze %dma_start3A_637 : memref<1x200x16xf32, #tpu.memory_space<vmem>> -> memref<200x16xf32, #tpu.memory_space<vmem>>
        %dma_start3A_639 = arith.constant 0 : i32
        %dma_start3A_640 = tpu.memref_slice %arg5[%add3A_633, %dma_start3A_639] : memref<128x200xi32, #tpu.memory_space<vmem>> -> memref<1x200xi32, #tpu.memory_space<vmem>>
        %dma_start3A_641 = tpu.memref_squeeze %dma_start3A_640 : memref<1x200xi32, #tpu.memory_space<vmem>> -> memref<200xi32, #tpu.memory_space<vmem>>
        %dma_start3A_642 = arith.constant 0 : i32
        %dma_start3A_643 = arith.constant 0 : i32
        %dma_start3A_644 = tpu.memref_slice %arg3[%dma_start3A_642, %dma_start3A_643] : memref<1000000x16xf32, #tpu.memory_space<hbm>> -> memref<1000000x16xf32, #tpu.memory_space<hbm>>
        tpu.enqueue_indirect_dma source(%dma_start3A_644 : memref<1000000x16xf32, #tpu.memory_space<hbm>>) target(%dma_start3A_638 : memref<200x16xf32, #tpu.memory_space<vmem>>) offsets(%dma_start3A_641 : memref<200xi32, #tpu.memory_space<vmem>>) semaphore(%arg8 : memref<!tpu.dma_semaphore, #tpu.memory_space<semaphore_mem>>)
      } else {
      }
      %add3A_380 = arith.constant 1 : i32
      %add3A_381 = arith.addi %mul3A_122, %add3A_380 : i32
      %mul3A_382 = arith.constant 8 : i32
      %mul3A_383 = arith.muli %add3A_381, %mul3A_382 : i32
      %add3A_384 = arith.constant 0 : i32
      %add3A_385 = arith.addi %mul3A_383, %add3A_384 : i32
      %dma_wait3A_386 = arith.constant 0 : i32
      %dma_wait3A_387 = arith.constant 0 : i32
      %dma_wait3A_388 = arith.constant 0 : i32
      %dma_wait3A_389 = tpu.memref_slice %arg7[%dma_wait3A_386, %dma_wait3A_387, %dma_wait3A_388] : memref<8x200x16xf32, #tpu.memory_space<vmem>> -> memref<1x200x16xf32, #tpu.memory_space<vmem>>
      %dma_wait3A_390 = tpu.memref_squeeze %dma_wait3A_389 : memref<1x200x16xf32, #tpu.memory_space<vmem>> -> memref<200x16xf32, #tpu.memory_space<vmem>>
      %dma_wait3A_391 = arith.constant 0 : i32
      %dma_wait3A_392 = tpu.memref_slice %arg5[%add3A_385, %dma_wait3A_391] : memref<128x200xi32, #tpu.memory_space<vmem>> -> memref<1x200xi32, #tpu.memory_space<vmem>>
      %dma_wait3A_393 = tpu.memref_squeeze %dma_wait3A_392 : memref<1x200xi32, #tpu.memory_space<vmem>> -> memref<200xi32, #tpu.memory_space<vmem>>
      %dma_wait3A_394 = arith.constant 0 : i32
      %dma_wait3A_395 = arith.constant 0 : i32
      %dma_wait3A_396 = tpu.memref_slice %arg3[%dma_wait3A_394, %dma_wait3A_395] : memref<1000000x16xf32, #tpu.memory_space<hbm>> -> memref<1000000x16xf32, #tpu.memory_space<hbm>>
      tpu.wait_indirect_dma semaphore(%arg9 : memref<!tpu.dma_semaphore, #tpu.memory_space<semaphore_mem>>) src(%dma_wait3A_396 : memref<1000000x16xf32, #tpu.memory_space<hbm>>) dst(%dma_wait3A_390 : memref<200x16xf32, #tpu.memory_space<vmem>>)
      %mul3A_397 = arith.constant 8 : i32
      %mul3A_398 = arith.muli %add3A_381, %mul3A_397 : i32
      %add3A_399 = arith.constant 1 : i32
      %add3A_400 = arith.addi %mul3A_398, %add3A_399 : i32
      %dma_wait3A_401 = arith.constant 1 : i32
      %dma_wait3A_402 = arith.constant 0 : i32
      %dma_wait3A_403 = arith.constant 0 : i32
      %dma_wait3A_404 = tpu.memref_slice %arg7[%dma_wait3A_401, %dma_wait3A_402, %dma_wait3A_403] : memref<8x200x16xf32, #tpu.memory_space<vmem>> -> memref<1x200x16xf32, #tpu.memory_space<vmem>>
      %dma_wait3A_405 = tpu.memref_squeeze %dma_wait3A_404 : memref<1x200x16xf32, #tpu.memory_space<vmem>> -> memref<200x16xf32, #tpu.memory_space<vmem>>
      %dma_wait3A_406 = arith.constant 0 : i32
      %dma_wait3A_407 = tpu.memref_slice %arg5[%add3A_400, %dma_wait3A_406] : memref<128x200xi32, #tpu.memory_space<vmem>> -> memref<1x200xi32, #tpu.memory_space<vmem>>
      %dma_wait3A_408 = tpu.memref_squeeze %dma_wait3A_407 : memref<1x200xi32, #tpu.memory_space<vmem>> -> memref<200xi32, #tpu.memory_space<vmem>>
      %dma_wait3A_409 = arith.constant 0 : i32
      %dma_wait3A_410 = arith.constant 0 : i32
      %dma_wait3A_411 = tpu.memref_slice %arg3[%dma_wait3A_409, %dma_wait3A_410] : memref<1000000x16xf32, #tpu.memory_space<hbm>> -> memref<1000000x16xf32, #tpu.memory_space<hbm>>
      tpu.wait_indirect_dma semaphore(%arg9 : memref<!tpu.dma_semaphore, #tpu.memory_space<semaphore_mem>>) src(%dma_wait3A_411 : memref<1000000x16xf32, #tpu.memory_space<hbm>>) dst(%dma_wait3A_405 : memref<200x16xf32, #tpu.memory_space<vmem>>)
      %mul3A_412 = arith.constant 8 : i32
      %mul3A_413 = arith.muli %add3A_381, %mul3A_412 : i32
      %add3A_414 = arith.constant 2 : i32
      %add3A_415 = arith.addi %mul3A_413, %add3A_414 : i32
      %dma_wait3A_416 = arith.constant 2 : i32
      %dma_wait3A_417 = arith.constant 0 : i32
      %dma_wait3A_418 = arith.constant 0 : i32
      %dma_wait3A_419 = tpu.memref_slice %arg7[%dma_wait3A_416, %dma_wait3A_417, %dma_wait3A_418] : memref<8x200x16xf32, #tpu.memory_space<vmem>> -> memref<1x200x16xf32, #tpu.memory_space<vmem>>
      %dma_wait3A_420 = tpu.memref_squeeze %dma_wait3A_419 : memref<1x200x16xf32, #tpu.memory_space<vmem>> -> memref<200x16xf32, #tpu.memory_space<vmem>>
      %dma_wait3A_421 = arith.constant 0 : i32
      %dma_wait3A_422 = tpu.memref_slice %arg5[%add3A_415, %dma_wait3A_421] : memref<128x200xi32, #tpu.memory_space<vmem>> -> memref<1x200xi32, #tpu.memory_space<vmem>>
      %dma_wait3A_423 = tpu.memref_squeeze %dma_wait3A_422 : memref<1x200xi32, #tpu.memory_space<vmem>> -> memref<200xi32, #tpu.memory_space<vmem>>
      %dma_wait3A_424 = arith.constant 0 : i32
      %dma_wait3A_425 = arith.constant 0 : i32
      %dma_wait3A_426 = tpu.memref_slice %arg3[%dma_wait3A_424, %dma_wait3A_425] : memref<1000000x16xf32, #tpu.memory_space<hbm>> -> memref<1000000x16xf32, #tpu.memory_space<hbm>>
      tpu.wait_indirect_dma semaphore(%arg9 : memref<!tpu.dma_semaphore, #tpu.memory_space<semaphore_mem>>) src(%dma_wait3A_426 : memref<1000000x16xf32, #tpu.memory_space<hbm>>) dst(%dma_wait3A_420 : memref<200x16xf32, #tpu.memory_space<vmem>>)
      %mul3A_427 = arith.constant 8 : i32
      %mul3A_428 = arith.muli %add3A_381, %mul3A_427 : i32
      %add3A_429 = arith.constant 3 : i32
      %add3A_430 = arith.addi %mul3A_428, %add3A_429 : i32
      %dma_wait3A_431 = arith.constant 3 : i32
      %dma_wait3A_432 = arith.constant 0 : i32
      %dma_wait3A_433 = arith.constant 0 : i32
      %dma_wait3A_434 = tpu.memref_slice %arg7[%dma_wait3A_431, %dma_wait3A_432, %dma_wait3A_433] : memref<8x200x16xf32, #tpu.memory_space<vmem>> -> memref<1x200x16xf32, #tpu.memory_space<vmem>>
      %dma_wait3A_435 = tpu.memref_squeeze %dma_wait3A_434 : memref<1x200x16xf32, #tpu.memory_space<vmem>> -> memref<200x16xf32, #tpu.memory_space<vmem>>
      %dma_wait3A_436 = arith.constant 0 : i32
      %dma_wait3A_437 = tpu.memref_slice %arg5[%add3A_430, %dma_wait3A_436] : memref<128x200xi32, #tpu.memory_space<vmem>> -> memref<1x200xi32, #tpu.memory_space<vmem>>
      %dma_wait3A_438 = tpu.memref_squeeze %dma_wait3A_437 : memref<1x200xi32, #tpu.memory_space<vmem>> -> memref<200xi32, #tpu.memory_space<vmem>>
      %dma_wait3A_439 = arith.constant 0 : i32
      %dma_wait3A_440 = arith.constant 0 : i32
      %dma_wait3A_441 = tpu.memref_slice %arg3[%dma_wait3A_439, %dma_wait3A_440] : memref<1000000x16xf32, #tpu.memory_space<hbm>> -> memref<1000000x16xf32, #tpu.memory_space<hbm>>
      tpu.wait_indirect_dma semaphore(%arg9 : memref<!tpu.dma_semaphore, #tpu.memory_space<semaphore_mem>>) src(%dma_wait3A_441 : memref<1000000x16xf32, #tpu.memory_space<hbm>>) dst(%dma_wait3A_435 : memref<200x16xf32, #tpu.memory_space<vmem>>)
      %mul3A_442 = arith.constant 8 : i32
      %mul3A_443 = arith.muli %add3A_381, %mul3A_442 : i32
      %add3A_444 = arith.constant 4 : i32
      %add3A_445 = arith.addi %mul3A_443, %add3A_444 : i32
      %dma_wait3A_446 = arith.constant 4 : i32
      %dma_wait3A_447 = arith.constant 0 : i32
      %dma_wait3A_448 = arith.constant 0 : i32
      %dma_wait3A_449 = tpu.memref_slice %arg7[%dma_wait3A_446, %dma_wait3A_447, %dma_wait3A_448] : memref<8x200x16xf32, #tpu.memory_space<vmem>> -> memref<1x200x16xf32, #tpu.memory_space<vmem>>
      %dma_wait3A_450 = tpu.memref_squeeze %dma_wait3A_449 : memref<1x200x16xf32, #tpu.memory_space<vmem>> -> memref<200x16xf32, #tpu.memory_space<vmem>>
      %dma_wait3A_451 = arith.constant 0 : i32
      %dma_wait3A_452 = tpu.memref_slice %arg5[%add3A_445, %dma_wait3A_451] : memref<128x200xi32, #tpu.memory_space<vmem>> -> memref<1x200xi32, #tpu.memory_space<vmem>>
      %dma_wait3A_453 = tpu.memref_squeeze %dma_wait3A_452 : memref<1x200xi32, #tpu.memory_space<vmem>> -> memref<200xi32, #tpu.memory_space<vmem>>
      %dma_wait3A_454 = arith.constant 0 : i32
      %dma_wait3A_455 = arith.constant 0 : i32
      %dma_wait3A_456 = tpu.memref_slice %arg3[%dma_wait3A_454, %dma_wait3A_455] : memref<1000000x16xf32, #tpu.memory_space<hbm>> -> memref<1000000x16xf32, #tpu.memory_space<hbm>>
      tpu.wait_indirect_dma semaphore(%arg9 : memref<!tpu.dma_semaphore, #tpu.memory_space<semaphore_mem>>) src(%dma_wait3A_456 : memref<1000000x16xf32, #tpu.memory_space<hbm>>) dst(%dma_wait3A_450 : memref<200x16xf32, #tpu.memory_space<vmem>>)
      %mul3A_457 = arith.constant 8 : i32
      %mul3A_458 = arith.muli %add3A_381, %mul3A_457 : i32
      %add3A_459 = arith.constant 5 : i32
      %add3A_460 = arith.addi %mul3A_458, %add3A_459 : i32
      %dma_wait3A_461 = arith.constant 5 : i32
      %dma_wait3A_462 = arith.constant 0 : i32
      %dma_wait3A_463 = arith.constant 0 : i32
      %dma_wait3A_464 = tpu.memref_slice %arg7[%dma_wait3A_461, %dma_wait3A_462, %dma_wait3A_463] : memref<8x200x16xf32, #tpu.memory_space<vmem>> -> memref<1x200x16xf32, #tpu.memory_space<vmem>>
      %dma_wait3A_465 = tpu.memref_squeeze %dma_wait3A_464 : memref<1x200x16xf32, #tpu.memory_space<vmem>> -> memref<200x16xf32, #tpu.memory_space<vmem>>
      %dma_wait3A_466 = arith.constant 0 : i32
      %dma_wait3A_467 = tpu.memref_slice %arg5[%add3A_460, %dma_wait3A_466] : memref<128x200xi32, #tpu.memory_space<vmem>> -> memref<1x200xi32, #tpu.memory_space<vmem>>
      %dma_wait3A_468 = tpu.memref_squeeze %dma_wait3A_467 : memref<1x200xi32, #tpu.memory_space<vmem>> -> memref<200xi32, #tpu.memory_space<vmem>>
      %dma_wait3A_469 = arith.constant 0 : i32
      %dma_wait3A_470 = arith.constant 0 : i32
      %dma_wait3A_471 = tpu.memref_slice %arg3[%dma_wait3A_469, %dma_wait3A_470] : memref<1000000x16xf32, #tpu.memory_space<hbm>> -> memref<1000000x16xf32, #tpu.memory_space<hbm>>
      tpu.wait_indirect_dma semaphore(%arg9 : memref<!tpu.dma_semaphore, #tpu.memory_space<semaphore_mem>>) src(%dma_wait3A_471 : memref<1000000x16xf32, #tpu.memory_space<hbm>>) dst(%dma_wait3A_465 : memref<200x16xf32, #tpu.memory_space<vmem>>)
      %mul3A_472 = arith.constant 8 : i32
      %mul3A_473 = arith.muli %add3A_381, %mul3A_472 : i32
      %add3A_474 = arith.constant 6 : i32
      %add3A_475 = arith.addi %mul3A_473, %add3A_474 : i32
      %dma_wait3A_476 = arith.constant 6 : i32
      %dma_wait3A_477 = arith.constant 0 : i32
      %dma_wait3A_478 = arith.constant 0 : i32
      %dma_wait3A_479 = tpu.memref_slice %arg7[%dma_wait3A_476, %dma_wait3A_477, %dma_wait3A_478] : memref<8x200x16xf32, #tpu.memory_space<vmem>> -> memref<1x200x16xf32, #tpu.memory_space<vmem>>
      %dma_wait3A_480 = tpu.memref_squeeze %dma_wait3A_479 : memref<1x200x16xf32, #tpu.memory_space<vmem>> -> memref<200x16xf32, #tpu.memory_space<vmem>>
      %dma_wait3A_481 = arith.constant 0 : i32
      %dma_wait3A_482 = tpu.memref_slice %arg5[%add3A_475, %dma_wait3A_481] : memref<128x200xi32, #tpu.memory_space<vmem>> -> memref<1x200xi32, #tpu.memory_space<vmem>>
      %dma_wait3A_483 = tpu.memref_squeeze %dma_wait3A_482 : memref<1x200xi32, #tpu.memory_space<vmem>> -> memref<200xi32, #tpu.memory_space<vmem>>
      %dma_wait3A_484 = arith.constant 0 : i32
      %dma_wait3A_485 = arith.constant 0 : i32
      %dma_wait3A_486 = tpu.memref_slice %arg3[%dma_wait3A_484, %dma_wait3A_485] : memref<1000000x16xf32, #tpu.memory_space<hbm>> -> memref<1000000x16xf32, #tpu.memory_space<hbm>>
      tpu.wait_indirect_dma semaphore(%arg9 : memref<!tpu.dma_semaphore, #tpu.memory_space<semaphore_mem>>) src(%dma_wait3A_486 : memref<1000000x16xf32, #tpu.memory_space<hbm>>) dst(%dma_wait3A_480 : memref<200x16xf32, #tpu.memory_space<vmem>>)
      %mul3A_487 = arith.constant 8 : i32
      %mul3A_488 = arith.muli %add3A_381, %mul3A_487 : i32
      %add3A_489 = arith.constant 7 : i32
      %add3A_490 = arith.addi %mul3A_488, %add3A_489 : i32
      %dma_wait3A_491 = arith.constant 7 : i32
      %dma_wait3A_492 = arith.constant 0 : i32
      %dma_wait3A_493 = arith.constant 0 : i32
      %dma_wait3A_494 = tpu.memref_slice %arg7[%dma_wait3A_491, %dma_wait3A_492, %dma_wait3A_493] : memref<8x200x16xf32, #tpu.memory_space<vmem>> -> memref<1x200x16xf32, #tpu.memory_space<vmem>>
      %dma_wait3A_495 = tpu.memref_squeeze %dma_wait3A_494 : memref<1x200x16xf32, #tpu.memory_space<vmem>> -> memref<200x16xf32, #tpu.memory_space<vmem>>
      %dma_wait3A_496 = arith.constant 0 : i32
      %dma_wait3A_497 = tpu.memref_slice %arg5[%add3A_490, %dma_wait3A_496] : memref<128x200xi32, #tpu.memory_space<vmem>> -> memref<1x200xi32, #tpu.memory_space<vmem>>
      %dma_wait3A_498 = tpu.memref_squeeze %dma_wait3A_497 : memref<1x200xi32, #tpu.memory_space<vmem>> -> memref<200xi32, #tpu.memory_space<vmem>>
      %dma_wait3A_499 = arith.constant 0 : i32
      %dma_wait3A_500 = arith.constant 0 : i32
      %dma_wait3A_501 = tpu.memref_slice %arg3[%dma_wait3A_499, %dma_wait3A_500] : memref<1000000x16xf32, #tpu.memory_space<hbm>> -> memref<1000000x16xf32, #tpu.memory_space<hbm>>
      tpu.wait_indirect_dma semaphore(%arg9 : memref<!tpu.dma_semaphore, #tpu.memory_space<semaphore_mem>>) src(%dma_wait3A_501 : memref<1000000x16xf32, #tpu.memory_space<hbm>>) dst(%dma_wait3A_495 : memref<200x16xf32, #tpu.memory_space<vmem>>)
      %add3A_502 = arith.constant 1 : i32
      %add3A_503 = arith.addi %mul3A_122, %add3A_502 : i32
      %mul3A_504 = arith.constant 8 : i32
      %mul3A_505 = arith.muli %add3A_503, %mul3A_504 : i32
      %add3A_506 = arith.addi %mul3A_2, %mul3A_505 : i32
      %dma_start3A_507 = arith.constant 0 : i32
      %dma_start3A_508 = arith.constant 0 : i32
      %dma_start3A_509 = tpu.memref_slice %arg4[%add3A_506, %dma_start3A_507, %dma_start3A_508] : memref<4096x200x128xf32, #tpu.memory_space<hbm>> -> memref<8x200x16xf32, #tpu.memory_space<hbm>>
      %dma_start3A_510 = arith.constant 0 : i32
      %dma_start3A_511 = arith.constant 0 : i32
      %dma_start3A_512 = tpu.memref_slice %arg4[%add3A_506, %dma_start3A_510, %dma_start3A_511] : memref<4096x200x128xf32, #tpu.memory_space<hbm>> -> memref<8x200x16xf32, #tpu.memory_space<hbm>>
      tpu.enqueue_dma source(%arg7 : memref<8x200x16xf32, #tpu.memory_space<vmem>>) target(%dma_start3A_512 : memref<8x200x16xf32, #tpu.memory_space<hbm>>) target_semaphore(%arg11 : memref<!tpu.dma_semaphore, #tpu.memory_space<semaphore_mem>>)
      %scan3A_513 = arith.constant 0 : i32
      scf.yield %scan3A_513 : i32
    }
    %scan3A_103 = arith.constant 8 : i32
    %add3A_104 = arith.constant 112 : i32
    %add3A_105 = arith.addi %mul3A_2, %add3A_104 : i32
    %dma_wait3A = arith.constant 0 : i32
    %dma_wait3A_106 = arith.constant 0 : i32
    %dma_wait3A_107 = tpu.memref_slice %arg4[%add3A_105, %dma_wait3A, %dma_wait3A_106] : memref<4096x200x128xf32, #tpu.memory_space<hbm>> -> memref<8x200x16xf32, #tpu.memory_space<hbm>>
    %dma_wait3A_108 = arith.constant 0 : i32
    %dma_wait3A_109 = arith.constant 0 : i32
    %dma_wait3A_110 = tpu.memref_slice %arg4[%add3A_105, %dma_wait3A_108, %dma_wait3A_109] : memref<4096x200x128xf32, #tpu.memory_space<hbm>> -> memref<8x200x16xf32, #tpu.memory_space<hbm>>
    tpu.wait_dma2 semaphore(%arg10 : memref<!tpu.dma_semaphore, #tpu.memory_space<semaphore_mem>>) src(%arg6 : memref<8x200x16xf32, #tpu.memory_space<vmem>>) dst(%dma_wait3A_110 : memref<8x200x16xf32, #tpu.memory_space<hbm>>)
    %add3A_111 = arith.constant 120 : i32
    %add3A_112 = arith.addi %mul3A_2, %add3A_111 : i32
    %dma_wait3A_113 = arith.constant 0 : i32
    %dma_wait3A_114 = arith.constant 0 : i32
    %dma_wait3A_115 = tpu.memref_slice %arg4[%add3A_112, %dma_wait3A_113, %dma_wait3A_114] : memref<4096x200x128xf32, #tpu.memory_space<hbm>> -> memref<8x200x16xf32, #tpu.memory_space<hbm>>
    %dma_wait3A_116 = arith.constant 0 : i32
    %dma_wait3A_117 = arith.constant 0 : i32
    %dma_wait3A_118 = tpu.memref_slice %arg4[%add3A_112, %dma_wait3A_116, %dma_wait3A_117] : memref<4096x200x128xf32, #tpu.memory_space<hbm>> -> memref<8x200x16xf32, #tpu.memory_space<hbm>>
    tpu.wait_dma2 semaphore(%arg11 : memref<!tpu.dma_semaphore, #tpu.memory_space<semaphore_mem>>) src(%arg7 : memref<8x200x16xf32, #tpu.memory_space<vmem>>) dst(%dma_wait3A_118 : memref<8x200x16xf32, #tpu.memory_space<hbm>>)
    return
  }
}

module attributes {stable_mosaic.version = 14 : i64} {
  func.func @_prep_body(%arg0: i32, %arg1: memref<8x8192xf32, #tpu.memory_space<vmem>>, %arg2: memref<8x8192xf32, #tpu.memory_space<vmem>>, %arg3: memref<1024x128xf32, #tpu.memory_space<vmem>>) attributes {dimension_semantics = [#tpu.dimension_semantics<arbitrary>], iteration_bounds = array<i64: 123>, scalar_prefetch = 0 : i64, scratch_operands = 0 : i64, tpu.core_type = #tpu.core_type<tc>, window_params = [{transform_indices = @transform_0, window_bounds = array<i64: 8, 8192>}, {transform_indices = @transform_1, window_bounds = array<i64: 8, 8192>}, {transform_indices = @transform_2, window_bounds = array<i64: 1024, 128>}]} {
    %get3A = arith.constant 0 : index
    %get3A_0 = arith.constant 0 : index
    %get3A_1 = vector.load %arg1[%get3A, %get3A_0] : memref<8x8192xf32, #tpu.memory_space<vmem>>, vector<8x8192xf32>
    %max3A = arith.constant 0.000000e+00 : f32
    %max3A_2 = vector.broadcast %max3A : f32 to vector<8x8192xf32>
    %max3A_3 = arith.maximumf %get3A_1, %max3A_2 : vector<8x8192xf32>
    %abs3A = math.absf %get3A_1 : vector<8x8192xf32>
    %neg3A = arith.constant 0.000000e+00 : f32
    %neg3A_4 = vector.broadcast %neg3A : f32 to vector<8x8192xf32>
    %neg3A_5 = arith.subf %neg3A_4, %abs3A : vector<8x8192xf32>
    %exp3A = math.exp %neg3A_5 : vector<8x8192xf32>
    %log1p3A = math.log1p %exp3A : vector<8x8192xf32>
    %add3A = arith.addf %max3A_3, %log1p3A : vector<8x8192xf32>
    %get3A_6 = arith.constant 0 : index
    %get3A_7 = arith.constant 0 : index
    %get3A_8 = vector.load %arg2[%get3A_6, %get3A_7] : memref<8x8192xf32, #tpu.memory_space<vmem>>, vector<8x8192xf32>
    %concatenate3A = tpu.concatenate %add3A, %get3A_8 in 0 : vector<8x8192xf32>, vector<8x8192xf32> -> vector<16x8192xf32>
    %transpose3A = tpu.transpose %concatenate3A, [1, 0] : vector<16x8192xf32> -> vector<8192x16xf32>
    %reshape3A = vector.shape_cast %transpose3A : vector<8192x16xf32> to vector<1024x8x16xf32>
    %slice3A = vector.extract_strided_slice %reshape3A {offsets = [0, 0, 0], sizes = [1024, 1, 16], strides = [1, 1, 1]} : vector<1024x8x16xf32> to vector<1024x1x16xf32>
    %squeeze3A = vector.shape_cast %slice3A : vector<1024x1x16xf32> to vector<1024x16xf32>
    %slice3A_9 = vector.extract_strided_slice %reshape3A {offsets = [0, 1, 0], sizes = [1024, 1, 16], strides = [1, 1, 1]} : vector<1024x8x16xf32> to vector<1024x1x16xf32>
    %squeeze3A_10 = vector.shape_cast %slice3A_9 : vector<1024x1x16xf32> to vector<1024x16xf32>
    %slice3A_11 = vector.extract_strided_slice %reshape3A {offsets = [0, 2, 0], sizes = [1024, 1, 16], strides = [1, 1, 1]} : vector<1024x8x16xf32> to vector<1024x1x16xf32>
    %squeeze3A_12 = vector.shape_cast %slice3A_11 : vector<1024x1x16xf32> to vector<1024x16xf32>
    %slice3A_13 = vector.extract_strided_slice %reshape3A {offsets = [0, 3, 0], sizes = [1024, 1, 16], strides = [1, 1, 1]} : vector<1024x8x16xf32> to vector<1024x1x16xf32>
    %squeeze3A_14 = vector.shape_cast %slice3A_13 : vector<1024x1x16xf32> to vector<1024x16xf32>
    %slice3A_15 = vector.extract_strided_slice %reshape3A {offsets = [0, 4, 0], sizes = [1024, 1, 16], strides = [1, 1, 1]} : vector<1024x8x16xf32> to vector<1024x1x16xf32>
    %squeeze3A_16 = vector.shape_cast %slice3A_15 : vector<1024x1x16xf32> to vector<1024x16xf32>
    %slice3A_17 = vector.extract_strided_slice %reshape3A {offsets = [0, 5, 0], sizes = [1024, 1, 16], strides = [1, 1, 1]} : vector<1024x8x16xf32> to vector<1024x1x16xf32>
    %squeeze3A_18 = vector.shape_cast %slice3A_17 : vector<1024x1x16xf32> to vector<1024x16xf32>
    %slice3A_19 = vector.extract_strided_slice %reshape3A {offsets = [0, 6, 0], sizes = [1024, 1, 16], strides = [1, 1, 1]} : vector<1024x8x16xf32> to vector<1024x1x16xf32>
    %squeeze3A_20 = vector.shape_cast %slice3A_19 : vector<1024x1x16xf32> to vector<1024x16xf32>
    %slice3A_21 = vector.extract_strided_slice %reshape3A {offsets = [0, 7, 0], sizes = [1024, 1, 16], strides = [1, 1, 1]} : vector<1024x8x16xf32> to vector<1024x1x16xf32>
    %squeeze3A_22 = vector.shape_cast %slice3A_21 : vector<1024x1x16xf32> to vector<1024x16xf32>
    %concatenate3A_23 = tpu.concatenate %squeeze3A, %squeeze3A_10, %squeeze3A_12, %squeeze3A_14, %squeeze3A_16, %squeeze3A_18, %squeeze3A_20, %squeeze3A_22 in 1 : vector<1024x16xf32>, vector<1024x16xf32>, vector<1024x16xf32>, vector<1024x16xf32>, vector<1024x16xf32>, vector<1024x16xf32>, vector<1024x16xf32>, vector<1024x16xf32> -> vector<1024x128xf32>
    %swap3A = arith.constant 0 : index
    %swap3A_24 = arith.constant 0 : index
    %swap3A_25 = vector.load %arg3[%swap3A, %swap3A_24] : memref<1024x128xf32, #tpu.memory_space<vmem>>, vector<1024x128xf32>
    tpu.vector_store %arg3[%swap3A, %swap3A_24], %concatenate3A_23 {strides = array<i32>} : memref<1024x128xf32, #tpu.memory_space<vmem>>, vector<1024x128xf32>,
    return
  }
  func.func @transform_0(%arg0: i32) -> (i32, i32) {
    %c0_i32 = arith.constant 0 : i32
    %c0_i32_0 = arith.constant 0 : i32
    return %c0_i32, %arg0 : i32, i32
  }
  func.func @transform_1(%arg0: i32) -> (i32, i32) {
    %c0_i32 = arith.constant 0 : i32
    %c0_i32_0 = arith.constant 0 : i32
    return %c0_i32, %arg0 : i32, i32
  }
  func.func @transform_2(%arg0: i32) -> (i32, i32) {
    %c0_i32 = arith.constant 0 : i32
    %c0_i32_0 = arith.constant 0 : i32
    return %arg0, %c0_i32 : i32, i32
  }
}

</mosaic_0001>

<sc_bundles>
// kernel: kernel.4.cloned.1.call-start
scs
__scs_entry_jumppad:
0x0: {  	(pc) =	sbr.rel $0x88, $3  }
0x1: {  	(tag) =	ssettag $0x0;
	lr =	simm.s32 $0x1  }
0x2: {  	[smem:$0x3F9E] =	sst lr;
	_ =	strace $0xD0000000  }
0x3: {  	_ = 	snop  }
0x4: {  	_ = 	snop  }
0x5: {  	_ = 	snop  }
0x6: {  	_ = 	snop  }
0x7: {  	_ = 	snop  }
__scs_overlays_trampoline_lowered:
0x8: {  	[smem:$0x3FAD] =	sst s0  }
0x9: {  	[smem:$0x3FAE] =	sst s1  }
0xa: {  	[smem:$0x3FAF] =	sst s2  }
0xb: {  	[smem:$0x3FB0] =	sst s3  }
0xc: {  	[smem:$0x3FB1] =	sst s4  }
0xd: {  	[smem:$0x3FB2] =	sst s5  }
0xe: {  	[smem:$0x3FB3] =	sst s6  }
0xf: {  	[smem:$0x3FB4] =	sst s7  }
0x10: {  	[smem:$0x3FB5] =	sst s8  }
0x11: {  	[smem:$0x3FB6] =	sst s9;
	s0 =	simm.s32 @!p0 $0x0  }
0x12: {  	s1 =	sld [smem:$0x3F9C];
	s0 =	simm.s32 @p0 $0x1  }
0x13: {  	[smem:$0x3FB7] =	sst s0;
	s0 =	simm.s32 @!p1 $0x0  }
0x14: {  	s2 =	sld [smem:$0x3F9B];
	s0 =	simm.s32 @p1 $0x1  }
0x15: {  	[smem:$0x3FB8] =	sst s0;
	s0 =	simm.s32 @!p2 $0x0  }
0x16: {  	s3 =	sld [smem:$0x3FDB];
	s0 =	simm.s32 @p2 $0x1  }
0x17: {  	s4 =	simm.s32 $0x1BF5;
	[smem:$0x3FBA] =	sst s0  }
0x18: {  	s0 =	sld [smem:$0x3F9D];
	_ =	swait.ge [sflag:s4], $0x0  }
0x19: {  	s7 =	sld [smem:$0x3F9E]  }
0x1a: {  	s8 =	sadd.s32 $0xFFFFE003, lr  }
0x1b: {  	s9 =	sadd.s32 $0xFFFFFEF7, lr;
	s5 =	simm.s32 $0xFFFFFFFF;
	p2 =	slt.u32 s8, $0xFFFFF086  }
0x1c: {  	p1 =	slt.u32 s9, $0xF7A;
	s5 =	simm.s32 @!p2 $0x0  }
0x1d: {  	s5 =	simm.s32 @p1 $0x1;
	p0 =	seq.s32 s7, s2  }
0x1e: {  	s7 =	smul.u32 @!p0 $0xF7A, s2;
	p2 =	seq.s32 @!p0 s5, $0x0  }
0x1f: {  	s9 =	smul.u32 $0xF7A, s1;
	s8 =	simm.s32 @!p0 $0x1BF5;
	p2 =	por !p2, p0  }
0x20: {  	[sflag:s8] =	ssyncset.s32 @!p0 $0xFFFFF086;
	s6 =	sadd.s32 @!p0 s3, s7;
	s7 =	simm.s32 @!p0 $0x108  }
0x21: {  	s3 =	sadd.s32 s3, s9;
	s6 =	sadd.s32 @!p0 $0x88, s6;
	s7 =	simm.s32 @p2 $0x1082  }
0x22: {  	[simem:s7], [sflag:s8] =	dma.local @!p0 [hbm:s6], $0xF7A  }
0x23: {  	s9 =	sor.u32 $0xD0000000, s2;
	s6 =	simm.s32 $0x108;
	_ =	swait.ge @!p0 [sflag:s8], $0x0  }
0x24: {  	s3 =	sadd.s32 $0x88, s3;
	s6 =	simm.s32 @!p1 $0x1082;
	[sflag:s4] =	ssyncset.s32 $0xFFFFF086  }
0x25: {  	[simem:s6], [sflag:s4] =	dma.local [hbm:s3], $0xF7A  }
0x26: {  	[smem:$0x3F9E] =	sst s1;
	(tag) =	ssettag s2;
	_ =	strace s9  }
0x27: {  	s1 =	sld [smem:$0x3FAE]  }
0x28: {  	s2 =	sld [smem:$0x3FAF]  }
0x29: {  	s4 =	sld [smem:$0x3FB1]  }
0x2a: {  	p0 =	seq.s32 s5, $0x0;
	s5 =	sld [smem:$0x3FB2]  }
0x2b: {  	s6 =	sld [smem:$0x3FB3]  }
0x2c: {  	s7 =	sld [smem:$0x3FB4]  }
0x2d: {  	s3 =	simm.s32 $0x108;
	s8 =	sld [smem:$0x3FB5]  }
0x2e: {  	s3 =	simm.s32 @!p0 $0x1082;
	s9 =	sld [smem:$0x3FB6]  }
0x2f: {  	lr =	sadd.s32 s0, s3;
	s0 =	sld [smem:$0x3FAD]  }
0x30: {  	s3 =	sld [smem:$0x3FB0]  }
0x31: {  	[smem:$0x3FB9] =	sst s10  }
0x32: {  	s10 =	sld [smem:$0x3FB7];
	_ =	sdelay $0x3  }
0x33: {  	p0 =	seq.s32 s10, $0x1;
	s10 =	sld [smem:$0x3FB9];
	_ =	sdelay $0x3  }
0x34: {  	[smem:$0x3FB9] =	sst s10  }
0x35: {  	s10 =	sld [smem:$0x3FB8];
	_ =	sdelay $0x3  }
0x36: {  	p1 =	seq.s32 s10, $0x1;
	s10 =	sld [smem:$0x3FB9];
	_ =	sdelay $0x3  }
0x37: {  	[smem:$0x3FB9] =	sst s10  }
0x38: {  	s10 =	sld [smem:$0x3FBA]  }
0x39: {  	_ = 	snop;
	(pc) =	sbr.ind lr, $3  }
0x3a: {  	_ = 	snop  }
0x3b: {  	_ = 	snop  }
0x3c: {  	p2 =	seq.s32 s10, $0x1;
	s10 =	sld [smem:$0x3FB9]  }
0x3d: {  	_ =	shalt  }
0x3e: {  	_ =	shalt  }
0x3f: {  	_ =	shalt  }
0x40: {  	_ =	shalt  }
0x41: {  	_ =	shalt  }
0x42: {  	_ =	shalt  }
0x43: {  	_ =	shalt  }
0x44: {  	_ =	shalt  }
0x45: {  	_ =	shalt  }
0x46: {  	_ =	shalt  }
0x47: {  	_ =	shalt  }
0x48: {  	_ =	shalt  }
0x49: {  	_ =	shalt  }
0x4a: {  	_ =	shalt  }
0x4b: {  	_ =	shalt  }
0x4c: {  	_ =	shalt  }
0x4d: {  	_ =	shalt  }
0x4e: {  	_ =	shalt  }
0x4f: {  	_ =	shalt  }
0x50: {  	_ =	shalt  }
0x51: {  	_ =	shalt  }
0x52: {  	_ =	shalt  }
0x53: {  	_ =	shalt  }
0x54: {  	_ =	shalt  }
0x55: {  	_ =	shalt  }
0x56: {  	_ =	shalt  }
0x57: {  	_ =	shalt  }
0x58: {  	_ =	shalt  }
0x59: {  	_ =	shalt  }
0x5a: {  	_ =	shalt  }
0x5b: {  	_ =	shalt  }
0x5c: {  	_ =	shalt  }
0x5d: {  	_ =	shalt  }
0x5e: {  	_ =	shalt  }
0x5f: {  	_ =	shalt  }
0x60: {  	_ =	shalt  }
0x61: {  	_ =	shalt  }
0x62: {  	_ =	shalt  }
0x63: {  	_ =	shalt  }
0x64: {  	_ =	shalt  }
0x65: {  	_ =	shalt  }
0x66: {  	_ =	shalt  }
0x67: {  	_ =	shalt  }
0x68: {  	_ =	shalt  }
0x69: {  	_ =	shalt  }
0x6a: {  	_ =	shalt  }
0x6b: {  	_ =	shalt  }
0x6c: {  	_ =	shalt  }
0x6d: {  	_ =	shalt  }
0x6e: {  	_ =	shalt  }
0x6f: {  	_ =	shalt  }
0x70: {  	_ =	shalt  }
0x71: {  	_ =	shalt  }
0x72: {  	_ =	shalt  }
0x73: {  	_ =	shalt  }
0x74: {  	_ =	shalt  }
0x75: {  	_ =	shalt  }
0x76: {  	_ =	shalt  }
0x77: {  	_ =	shalt  }
0x78: {  	_ =	shalt  }
0x79: {  	_ =	shalt  }
0x7a: {  	_ =	shalt  }
0x7b: {  	_ =	shalt  }
0x7c: {  	_ =	shalt  }
0x7d: {  	_ =	shalt  }
0x7e: {  	_ =	shalt  }
0x7f: {  	_ =	shalt  }
0x80: {  	_ =	shalt  }
0x81: {  	_ =	shalt  }
0x82: {  	_ =	shalt  }
0x83: {  	_ =	shalt  }
0x84: {  	_ =	shalt  }
0x85: {  	_ =	shalt  }
0x86: {  	_ =	shalt  }
0x87: {  	_ =	shalt  }
.Lfunc_end0:
.L_simem_size_0:
called_computation.1_lowered:
.L_overlay_start_0:
0x88: {  	s2 =	sld [smem:$0x3FD9]  }
0x89: {  	s3 =	sld [smem:$0x3FFE];
	_ =	sdelay $0x1  }
0x8a: {  	s1 =	srdreg.scid  }
0x8b: {  	s0 =	sand.u32 $0x1, s1  }
0x8c: {  	s17 =	sshll.u32 s0, $0xA;
	s2 =	sadd.s32 s3, s2  }
0x8d: {  	s2 =	sadd.s32 s2, s17  }
0x8e: {  	[smem:$0x3FC5] =	sst s2  }
0x8f: {  	_ = 	snop  }
0x90: {  	s2 =	sld [smem:$0x3FD0];
	(tm) =	ssettm $0x1  }
0x91: {  	s18 =	sld [smem:$0x3FFB];
	_ =	sdelay $0x3  }
0x92: {  	_ =	strace s18  }
0x93: {  	s3 =	sld [smem:$0x3FFC];
	_ =	sdelay $0x3  }
0x94: {  	_ =	strace s3  }
0x95: {  	s3 =	sld [smem:$0x3FFD];
	_ =	sdelay $0x3  }
0x96: {  	_ =	strace s3  }
0x97: {  	_ =	strace $0x8FFFFFFF  }
0x98: {  	s19 =	sld [smem:$0x3FDB];
	_ =	sdelay $0x1  }
0x99: {  	s4 =	simm.s32 $_scs_section_size  }
0x9a: {  	s5 =	simm.s32 $_size__tile_overlayer_lowered;
	s6 =	simm.s32 $_tile_overlayer_lowered  }
0x9b: {  	s22 =	simm.s32 $0x1BFF;
	s21 =	sshll.u32 s6, $0x1;
	s3 =	sadd.s32 s4, s19  }
0x9c: {  	s7 =	simm.s32 $0x0;
	s20 =	sshll.u32 s5, $0x1;
	s5 =	sadd.s32 s21, s3  }
0x9d: {  	[timem:s7], [sflag:s22] =	dma.local [hbm:s5], s20  }
0x9e: {  	_ =	swait.ge [sflag:s22], s20  }
0x9f: {  	s4 =	ssub.s32 $0x0, s20;
	[sflag:s22] =	ssyncset.done $0x0  }
0xa0: {  	[sflag:s22] =	ssyncadd.s32 s4;
	_ =	sdelay $0x1  }
0xa1: {  	s23 =	simm.s32 $0x1B8B  }
0xa2: {  	_ =	swait.ge [sflag:s23], $0x1  }
0xa3: {  	[sflag:s23] =	ssyncset.done $0x0  }
0xa4: {  	s25 =	simm.s32 $0x1B8E;
	s24 =	sld [smem:$0x3FFE];
	[sflag:s23] =	ssyncadd.s32 $0xFFFFFFFF  }
0xa5: {  	s26 =	simm.s32 $execute0_lowered;
	[smem:$0x3FD2] =	sst s25  }
0xa6: {  	s5 =	sshll.u32 s26, $0x1;
	_ =	strace $0x80000046;
	[dreg:$0x1] =	wrdreg $0xFFFFFFFF  }
0xa7: {  	s28 =	simm.s32 $_size_execute0_lowered;
	s3 =	sadd.s32 s3, s5;
	[dreg:$0x0] =	wrdreg $0x0  }
0xa8: {  	s5 =	sshll.u32 s28, $0x1;
	[dreg:$0x2] =	wrdreg s3  }
0xa9: {  	[dreg:$0x3] =	wrdreg s5  }
0xaa: {  	[dreg:$0x4] =	wrdreg $0xC0  }
0xab: {  	_ =	task [dreg:s7], $0x5FFFF  }
0xac: {  	[dreg:$0x1] =	wrdreg $0xFFFFFFFF  }
0xad: {  	[dreg:$0x0] =	wrdreg $0x60  }
0xae: {  	[dreg:$0x2] =	wrdreg s2  }
0xaf: {  	[dreg:$0x3] =	wrdreg s24  }
0xb0: {  	[dreg:$0x4] =	wrdreg $0x9  }
0xb1: {  	_ =	task.clear_ibuf [dreg:s7], $0x5FFFF;
	_ =	strace $0x90000046  }
0xb2: {  	s29 =	simm.s32 $0x9;
	_ =	strace $0x80000048  }
0xb3: {  	_ =	swait.ge [sflag:s29], $0x1  }
0xb4: {  	[sflag:s29] =	ssyncadd.s32 $0xFFFFFFFF  }
0xb5: {  	_ =	strace $0x90000048  }
0xb6: {  	_ =	sfence  }
0xb7: {  	s30 =	sld [smem:$0x0];
	_ =	sdelay $0x2  }
0xb8: {  	s31 =	sshll.u32 s1, $0xD;
	s1 =	sshrl.u32 s1, $0x2  }
0xb9: {  	s3 =	sand.u32 $0x4000, s31;
	s1 =	sadd.s32 s1, s30  }
0xba: {  	s0 =	sor.u32 s3, s0;
	s1 =	sshll.u32 s1, $0x11  }
0xbb: {  	s0 =	sor.u32 s1, s0  }
0xbc: {  	s0 =	sadd.s32 $0x8F2B, s0  }
0xbd: {  	[sflag:s0] =	ssyncadd.remote.s32 $0x1  }
0xbe: {  	_ =	sfence.sel $0xFFFF  }
0xbf: {  	[dreg:$0x0] =	wrdreg $0xFFFFFFFF;
	(pc) =	sbr.abs _section_cstart, $3  }
0xc0: {  	[dreg:$0x1] =	wrdreg $0xFFFFFFFF  }
0xc1: {  	_ =	task.clear_ibuf [dreg:s7], $0x2FFFF;
	_ =	strace $0x9FFFFFFF  }
0xc2: {  	(tm) =	ssettm $0x7FFFFFFF  }
0xc3: {  	_ =	shalt  }
tec
execute0_lowered:
.L_overlay_start_1:
0x0: {  	(tag) =	ssettag $0x1  }
0x1: {  	s0 =	rddreg [dreg:$0x0]  }
0x2: {  	s1 =	srdreg.scid;
	s4 =	rddreg [dreg:$0x1]  }
0x3: {  	s6 =	stileid.u32;
	s2 =	simm.s32 $0x0;
	s9 =	simm.s32 $0x6400  }
0x4: {  	s20 =	simm.s32 $0xD480;
	s21 =	simm.s32 $0xE100;
	s22 =	simm.s32 $0xED80  }
0x5: {  	s23 =	simm.s32 $0xFA00;
	s24 =	simm.s32 $0x10680;
	[smem:$0x7FF] =	sst s2  }
0x6: {  	s25 =	simm.s32 $0x11300;
	_ =	strace $0x80000047;
	[dreg:$0x3] =	wrdreg s20  }
0x7: {  	s26 =	simm.s32 $0x11F80;
	s28 =	simm.s32 $0x2;
	[dreg:$0x4] =	wrdreg s21  }
0x8: {  	s29 =	simm.s32 $0x3;
	s30 =	simm.s32 $0x4;
	[dreg:$0x5] =	wrdreg s22  }
0x9: {  	s31 =	simm.s32 $0x0;
	s1 =	sand.u32 $0x1, s1;
	[dreg:$0x6] =	wrdreg s23  }
0xa: {  	s3 =	sshll.u32 s6, $0x8;
	s6 =	smul.u32 $0xC8000, s6;
	[dreg:$0x7] =	wrdreg s24  }
0xb: {  	s5 =	sshll.u32 s1, $0x7;
	s18 =	ssub.s32 $0x2, s1;
	[dreg:$0x8] =	wrdreg s25  }
0xc: {  	s1 =	smul.u32 $0x64000, s1;
	s23 =	simm.s32 $0xC800;
	[dreg:$0x9] =	wrdreg s26  }
0xd: {  	s24 =	simm.s32 $0x1;
	s25 =	simm.s32 $0x10;
	s26 =	simm.s32 $0x80  }
0xe: {  	s3 =	sor.u32 s5, s3;
	s8 =	sshrl.u32 s18, $0x1;
	s6 =	sadd.s32 s6, s4  }
0xf: {  	s7 =	smul.u32 $0x19, s3;
	s3 =	sadd.s32 $0x800, s4;
	s5 =	ssub.s32 s18, s8  }
0x10: {  	s19 =	sadd.s32 s1, s6;
	s8 =	simm.s32 $0xC8;
	s5 =	smax.u32 s5, $0x1  }
0x11: {  	s6 =	sadd.s32 $0x1E8E00, s19;
	s4 =	sadd.s32 s0, s7;
	s7 =	simm.s32 $0x5  }
.LBB2_1:
0x12: {  	[tilespmem:s2], [sflag:$0x5] =	stream.linear.gather [hbm4b:s4+s2], $0x6400, $0x38;
	[tilespmem:$0x12C00] =	vst v63  }
0x13: {  	_ =	swait.ge [sflag:s7], $0x6400  }
0x14: {  	[sflag:s7] =	ssyncset.done $0x0  }
0x15: {  	[sflag:s7] =	ssyncadd.s32 $0xFFFF9C00  }
0x16: {  	[tilespmem:s9], [sflag:$0x1] =	stream.indirect.gather [hbm4b:s3+s8], $0x10, s2, s8, $0xb8;
	[tilespmem:$0x12C00] =	vst v63  }
0x17: {  	s0 =	simm.s32 $0x7080  }
0x18: {  	[tilespmem:s0], [sflag:$0x1] =	stream.indirect.gather [hbm4b:s3+s8], $0x10, s8, s8, $0xb8;
	[tilespmem:$0x12C00] =	vst v63  }
0x19: {  	s11 =	simm.s32 $0x190;
	s1 =	simm.s32 $0x7D00  }
0x1a: {  	[tilespmem:s1], [sflag:$0x1] =	stream.indirect.gather [hbm4b:s3+s8], $0x10, s11, s8, $0xb8;
	[tilespmem:$0x12C00] =	vst v63  }
0x1b: {  	s12 =	simm.s32 $0x258;
	s13 =	simm.s32 $0x8980  }
0x1c: {  	[tilespmem:s13], [sflag:$0x1] =	stream.indirect.gather [hbm4b:s3+s8], $0x10, s12, s8, $0xb8;
	[tilespmem:$0x12C00] =	vst v63  }
0x1d: {  	s14 =	simm.s32 $0x320;
	s15 =	simm.s32 $0x9600  }
0x1e: {  	[tilespmem:s15], [sflag:$0x1] =	stream.indirect.gather [hbm4b:s3+s8], $0x10, s14, s8, $0xb8;
	[tilespmem:$0x12C00] =	vst v63  }
0x1f: {  	s16 =	simm.s32 $0x3E8;
	s17 =	simm.s32 $0xA280  }
0x20: {  	[tilespmem:s17], [sflag:$0x1] =	stream.indirect.gather [hbm4b:s3+s8], $0x10, s16, s8, $0xb8;
	[tilespmem:$0x12C00] =	vst v63  }
0x21: {  	s18 =	simm.s32 $0x4B0;
	s19 =	simm.s32 $0xAF00;
	p0 =	por $0x1, $0x1  }
0x22: {  	[tilespmem:s19], [sflag:$0x1] =	stream.indirect.gather [hbm4b:s3+s8], $0x10, s18, s8, $0xb8;
	[tilespmem:$0x12C00] =	vst v63  }
0x23: {  	s20 =	simm.s32 $0x578;
	s21 =	simm.s32 $0xBB80;
	s0 =	simm.s32 @!p0 $0x4  }
0x24: {  	[tilespmem:s21], [sflag:$0x1] =	stream.indirect.gather [hbm4b:s3+s8], $0x10, s20, s8, $0xb8;
	[tilespmem:$0x12C00] =	vst v63  }
0x25: {  	_ =	swait.ge @!p0 [sflag:s0], $0x6400  }
0x26: {  	[sflag:s0] =	ssyncset.done @!p0 $0x0  }
0x27: {  	s22 =	simm.s32 $0x640;
	[sflag:s0] =	ssyncadd.s32 @!p0 $0xFFFF9C00  }
0x28: {  	[tilespmem:s23], [sflag:$0x2] =	stream.indirect.gather [hbm4b:s3+s8], $0x10, s22, s8, $0xb8;
	[tilespmem:$0x12C00] =	vst v63  }
0x29: {  	s1 =	simm.s32 $0x708;
	s10 =	rddreg [dreg:$0x3]  }
0x2a: {  	[tilespmem:s10], [sflag:$0x2] =	stream.indirect.gather [hbm4b:s3+s8], $0x10, s1, s8, $0xb8;
	[tilespmem:$0x12C00] =	vst v63  }
0x2b: {  	s12 =	simm.s32 $0x7D0;
	s11 =	rddreg [dreg:$0x4]  }
0x2c: {  	[tilespmem:s11], [sflag:$0x2] =	stream.indirect.gather [hbm4b:s3+s8], $0x10, s12, s8, $0xb8;
	[tilespmem:$0x12C00] =	vst v63  }
0x2d: {  	s14 =	simm.s32 $0x898;
	s13 =	rddreg [dreg:$0x5]  }
0x2e: {  	[tilespmem:s13], [sflag:$0x2] =	stream.indirect.gather [hbm4b:s3+s8], $0x10, s14, s8, $0xb8;
	[tilespmem:$0x12C00] =	vst v63  }
0x2f: {  	s16 =	simm.s32 $0x960;
	s15 =	rddreg [dreg:$0x6]  }
0x30: {  	[tilespmem:s15], [sflag:$0x2] =	stream.indirect.gather [hbm4b:s3+s8], $0x10, s16, s8, $0xb8;
	[tilespmem:$0x12C00] =	vst v63  }
0x31: {  	s18 =	simm.s32 $0xA28;
	s17 =	rddreg [dreg:$0x7]  }
0x32: {  	[tilespmem:s17], [sflag:$0x2] =	stream.indirect.gather [hbm4b:s3+s8], $0x10, s18, s8, $0xb8;
	[tilespmem:$0x12C00] =	vst v63  }
0x33: {  	s20 =	simm.s32 $0xAF0;
	s19 =	rddreg [dreg:$0x8]  }
0x34: {  	[tilespmem:s19], [sflag:$0x2] =	stream.indirect.gather [hbm4b:s3+s8], $0x10, s20, s8, $0xb8;
	[tilespmem:$0x12C00] =	vst v63  }
0x35: {  	s21 =	rddreg [dreg:$0x9];
	s22 =	simm.s32 $0xBB8  }
0x36: {  	[tilespmem:s21], [sflag:$0x2] =	stream.indirect.gather [hbm4b:s3+s8], $0x10, s22, s8, $0xb8;
	[tilespmem:$0x12C00] =	vst v63  }
0x37: {  	_ =	swait.ge [sflag:s24], $0xC80  }
0x38: {  	[sflag:s24] =	ssyncset.done $0x0  }
0x39: {  	[sflag:s24] =	ssyncadd.s32 $0xFFFFF380  }
0x3a: {  	_ =	swait.ge [sflag:s24], $0xC80  }
0x3b: {  	[sflag:s24] =	ssyncset.done $0x0  }
0x3c: {  	[sflag:s24] =	ssyncadd.s32 $0xFFFFF380  }
0x3d: {  	_ =	swait.ge [sflag:s24], $0xC80  }
0x3e: {  	[sflag:s24] =	ssyncset.done $0x0  }
0x3f: {  	[sflag:s24] =	ssyncadd.s32 $0xFFFFF380  }
0x40: {  	_ =	swait.ge [sflag:s24], $0xC80  }
0x41: {  	[sflag:s24] =	ssyncset.done $0x0  }
0x42: {  	[sflag:s24] =	ssyncadd.s32 $0xFFFFF380  }
0x43: {  	_ =	swait.ge [sflag:s24], $0xC80  }
0x44: {  	[sflag:s24] =	ssyncset.done $0x0  }
0x45: {  	[sflag:s24] =	ssyncadd.s32 $0xFFFFF380  }
0x46: {  	_ =	swait.ge [sflag:s24], $0xC80  }
0x47: {  	[sflag:s24] =	ssyncset.done $0x0  }
0x48: {  	[sflag:s24] =	ssyncadd.s32 $0xFFFFF380  }
0x49: {  	_ =	swait.ge [sflag:s24], $0xC80  }
0x4a: {  	[sflag:s24] =	ssyncset.done $0x0  }
0x4b: {  	[sflag:s24] =	ssyncadd.s32 $0xFFFFF380  }
0x4c: {  	_ =	swait.ge [sflag:s24], $0xC80  }
0x4d: {  	p0 =	por $0x0, $0x0;
	[sflag:s24] =	ssyncset.done $0x0  }
0x4e: {  	s0 =	simm.s32 @!p0 $0x3;
	[sflag:s24] =	ssyncadd.s32 $0xFFFFF380  }
0x4f: {  	[hbm4b:s6+s25] =	stream.strided.scatter [tilespmem:s9], [sflag:$0x3], $0x6400, s26, s25, $0x38;
	[tilespmem:$0x12C00] =	vst v63  }
0x50: {  	_ =	swait.ge @!p0 [sflag:s0], $0x6400  }
0x51: {  	s1 =	simm.s32 @!p0 $0xC80;
	[sflag:s0] =	ssyncset.done @!p0 $0x0  }
0x52: {  	s10 =	simm.s32 @!p0 $0xC8;
	s11 =	simm.s32 @!p0 $0x6400;
	[sflag:s0] =	ssyncadd.s32 @!p0 $0xFFFF9C00  }
0x53: {  	[tilespmem:s11], [sflag:$0x1] =	stream.indirect.gather @!p0 [hbm4b:s3+s10], $0x10, s1, s10, $0xb8;
	[tilespmem:$0x12C00] =	vst v63  }
0x54: {  	s0 =	simm.s32 @!p0 $0xD48;
	s1 =	simm.s32 @!p0 $0x7080  }
0x55: {  	[tilespmem:s1], [sflag:$0x1] =	stream.indirect.gather @!p0 [hbm4b:s3+s10], $0x10, s0, s10, $0xb8;
	[tilespmem:$0x12C00] =	vst v63  }
0x56: {  	s0 =	simm.s32 @!p0 $0xE10;
	s1 =	simm.s32 @!p0 $0x7D00  }
0x57: {  	[tilespmem:s1], [sflag:$0x1] =	stream.indirect.gather @!p0 [hbm4b:s3+s10], $0x10, s0, s10, $0xb8;
	[tilespmem:$0x12C00] =	vst v63  }
0x58: {  	s0 =	simm.s32 @!p0 $0xED8;
	s1 =	simm.s32 @!p0 $0x8980  }
0x59: {  	[tilespmem:s1], [sflag:$0x1] =	stream.indirect.gather @!p0 [hbm4b:s3+s10], $0x10, s0, s10, $0xb8;
	[tilespmem:$0x12C00] =	vst v63  }
0x5a: {  	s0 =	simm.s32 @!p0 $0xFA0;
	s1 =	simm.s32 @!p0 $0x9600  }
0x5b: {  	[tilespmem:s1], [sflag:$0x1] =	stream.indirect.gather @!p0 [hbm4b:s3+s10], $0x10, s0, s10, $0xb8;
	[tilespmem:$0x12C00] =	vst v63  }
0x5c: {  	s0 =	simm.s32 @!p0 $0x1068;
	s1 =	simm.s32 @!p0 $0xA280  }
0x5d: {  	[tilespmem:s1], [sflag:$0x1] =	stream.indirect.gather @!p0 [hbm4b:s3+s10], $0x10, s0, s10, $0xb8;
	[tilespmem:$0x12C00] =	vst v63  }
0x5e: {  	s0 =	simm.s32 @!p0 $0x1130;
	s1 =	simm.s32 @!p0 $0xAF00  }
0x5f: {  	[tilespmem:s1], [sflag:$0x1] =	stream.indirect.gather @!p0 [hbm4b:s3+s10], $0x10, s0, s10, $0xb8;
	[tilespmem:$0x12C00] =	vst v63  }
0x60: {  	s0 =	simm.s32 @!p0 $0x11F8;
	s1 =	simm.s32 @!p0 $0xBB80  }
0x61: {  	[tilespmem:s1], [sflag:$0x1] =	stream.indirect.gather @!p0 [hbm4b:s3+s10], $0x10, s0, s10, $0xb8;
	[tilespmem:$0x12C00] =	vst v63  }
0x62: {  	_ =	swait.ge [sflag:s28], $0xC80  }
0x63: {  	[sflag:s28] =	ssyncset.done $0x0  }
0x64: {  	[sflag:s28] =	ssyncadd.s32 $0xFFFFF380  }
0x65: {  	_ =	swait.ge [sflag:s28], $0xC80  }
0x66: {  	[sflag:s28] =	ssyncset.done $0x0  }
0x67: {  	[sflag:s28] =	ssyncadd.s32 $0xFFFFF380  }
0x68: {  	_ =	swait.ge [sflag:s28], $0xC80  }
0x69: {  	[sflag:s28] =	ssyncset.done $0x0  }
0x6a: {  	[sflag:s28] =	ssyncadd.s32 $0xFFFFF380  }
0x6b: {  	_ =	swait.ge [sflag:s28], $0xC80  }
0x6c: {  	[sflag:s28] =	ssyncset.done $0x0  }
0x6d: {  	[sflag:s28] =	ssyncadd.s32 $0xFFFFF380  }
0x6e: {  	_ =	swait.ge [sflag:s28], $0xC80  }
0x6f: {  	[sflag:s28] =	ssyncset.done $0x0  }
0x70: {  	[sflag:s28] =	ssyncadd.s32 $0xFFFFF380  }
0x71: {  	_ =	swait.ge [sflag:s28], $0xC80  }
0x72: {  	[sflag:s28] =	ssyncset.done $0x0  }
0x73: {  	[sflag:s28] =	ssyncadd.s32 $0xFFFFF380  }
0x74: {  	p1 =	por $0x0, $0x0;
	_ =	swait.ge [sflag:s28], $0xC80  }
0x75: {  	s12 =	simm.s32 $0x6400;
	s11 =	sadd.s32 $0x6400, s6;
	[sflag:s28] =	ssyncset.done $0x0  }
0x76: {  	s1 =	simm.s32 $0x3200;
	s10 =	sadd.s32 $0xC800, s6;
	[sflag:s28] =	ssyncadd.s32 $0xFFFFF380  }
0x77: {  	s0 =	sadd.s32 $0x6400, s10;
	s13 =	sadd.s32 $0xC800, s10;
	_ =	swait.ge [sflag:s28], $0xC80  }
.LBB2_2:
0x78: {  	[sflag:s28] =	ssyncset.done $0x0  }
0x79: {  	s15 =	simm.s32 @!p1 $0x4;
	[sflag:s28] =	ssyncadd.s32 $0xFFFFF380  }
0x7a: {  	[hbm4b:s11+s25] =	stream.strided.scatter [tilespmem:s23], [sflag:$0x4], $0x6400, s26, s25, $0x38;
	[tilespmem:$0x12C00] =	vst v63  }
0x7b: {  	_ =	swait.ge @!p1 [sflag:s15], $0x6400  }
0x7c: {  	s17 =	sshra.s32 s1, $0x2;
	[sflag:s15] =	ssyncset.done @!p1 $0x0  }
0x7d: {  	s18 =	sadd.s32 $0x640, s17;
	[sflag:s15] =	ssyncadd.s32 @!p1 $0xFFFF9C00  }
0x7e: {  	[tilespmem:s23], [sflag:$0x2] =	stream.indirect.gather [hbm4b:s3+s8], $0x10, s18, s8, $0xb8;
	[tilespmem:$0x12C00] =	vst v63  }
0x7f: {  	s19 =	rddreg [dreg:$0x3];
	s18 =	sadd.s32 $0x708, s17  }
0x80: {  	[tilespmem:s19], [sflag:$0x2] =	stream.indirect.gather [hbm4b:s3+s8], $0x10, s18, s8, $0xb8;
	[tilespmem:$0x12C00] =	vst v63  }
0x81: {  	s21 =	sadd.s32 $0x7D0, s17;
	s20 =	rddreg [dreg:$0x4]  }
0x82: {  	[tilespmem:s20], [sflag:$0x2] =	stream.indirect.gather [hbm4b:s3+s8], $0x10, s21, s8, $0xb8;
	[tilespmem:$0x12C00] =	vst v63  }
0x83: {  	s16 =	sadd.s32 $0x6400, s13;
	s22 =	rddreg [dreg:$0x5];
	s19 =	sadd.s32 $0x898, s17  }
0x84: {  	[tilespmem:s22], [sflag:$0x2] =	stream.indirect.gather [hbm4b:s3+s8], $0x10, s19, s8, $0xb8;
	[tilespmem:$0x12C00] =	vst v63  }
0x85: {  	s11 =	smov.u32 s0;
	s20 =	rddreg [dreg:$0x6];
	s21 =	sadd.s32 $0x960, s17  }
0x86: {  	[tilespmem:s20], [sflag:$0x2] =	stream.indirect.gather [hbm4b:s3+s8], $0x10, s21, s8, $0xb8;
	[tilespmem:$0x12C00] =	vst v63  }
0x87: {  	s0 =	smov.u32 s16;
	s16 =	sadd.s32 $0xA28, s17;
	s22 =	rddreg [dreg:$0x7]  }
0x88: {  	[tilespmem:s22], [sflag:$0x2] =	stream.indirect.gather [hbm4b:s3+s8], $0x10, s16, s8, $0xb8;
	[tilespmem:$0x12C00] =	vst v63  }
0x89: {  	s19 =	rddreg [dreg:$0x8];
	s20 =	sadd.s32 $0xAF0, s17  }
0x8a: {  	[tilespmem:s19], [sflag:$0x2] =	stream.indirect.gather [hbm4b:s3+s8], $0x10, s20, s8, $0xb8;
	[tilespmem:$0x12C00] =	vst v63  }
0x8b: {  	s21 =	rddreg [dreg:$0x9];
	s22 =	sadd.s32 $0xBB8, s17  }
0x8c: {  	[tilespmem:s21], [sflag:$0x2] =	stream.indirect.gather [hbm4b:s3+s8], $0x10, s22, s8, $0xb8;
	[tilespmem:$0x12C00] =	vst v63  }
0x8d: {  	_ =	swait.ge [sflag:s24], $0xC80  }
0x8e: {  	[sflag:s24] =	ssyncset.done $0x0  }
0x8f: {  	[sflag:s24] =	ssyncadd.s32 $0xFFFFF380  }
0x90: {  	_ =	swait.ge [sflag:s24], $0xC80  }
0x91: {  	[sflag:s24] =	ssyncset.done $0x0  }
0x92: {  	[sflag:s24] =	ssyncadd.s32 $0xFFFFF380  }
0x93: {  	_ =	swait.ge [sflag:s24], $0xC80  }
0x94: {  	[sflag:s24] =	ssyncset.done $0x0  }
0x95: {  	[sflag:s24] =	ssyncadd.s32 $0xFFFFF380  }
0x96: {  	_ =	swait.ge [sflag:s24], $0xC80  }
0x97: {  	[sflag:s24] =	ssyncset.done $0x0  }
0x98: {  	[sflag:s24] =	ssyncadd.s32 $0xFFFFF380  }
0x99: {  	_ =	swait.ge [sflag:s24], $0xC80  }
0x9a: {  	[sflag:s24] =	ssyncset.done $0x0  }
0x9b: {  	[sflag:s24] =	ssyncadd.s32 $0xFFFFF380  }
0x9c: {  	_ =	swait.ge [sflag:s24], $0xC80  }
0x9d: {  	[sflag:s24] =	ssyncset.done $0x0  }
0x9e: {  	[sflag:s24] =	ssyncadd.s32 $0xFFFFF380  }
0x9f: {  	_ =	swait.ge [sflag:s24], $0xC80  }
0xa0: {  	[sflag:s24] =	ssyncset.done $0x0  }
0xa1: {  	[sflag:s24] =	ssyncadd.s32 $0xFFFFF380  }
0xa2: {  	_ =	swait.ge [sflag:s24], $0xC80  }
0xa3: {  	p1 =	seq.s32 s1, $0x15E00;
	[sflag:s24] =	ssyncset.done $0x0  }
0xa4: {  	s15 =	simm.s32 @!p1 $0x3;
	[sflag:s24] =	ssyncadd.s32 $0xFFFFF380  }
0xa5: {  	[hbm4b:s10+s25] =	stream.strided.scatter [tilespmem:s9], [sflag:$0x3], $0x6400, s26, s25, $0x38;
	[tilespmem:$0x12C00] =	vst v63  }
0xa6: {  	_ =	swait.ge @!p1 [sflag:s15], $0x6400  }
0xa7: {  	s1 =	sshra.s32 @!p1 s1, $0x2;
	s18 =	simm.s32 @!p1 $0x6400;
	[sflag:s15] =	ssyncset.done @!p1 $0x0  }
0xa8: {  	s17 =	simm.s32 @!p1 $0xC8;
	s10 =	sadd.s32 @!p1 $0xC80, s1;
	[sflag:s15] =	ssyncadd.s32 @!p1 $0xFFFF9C00  }
0xa9: {  	[tilespmem:s18], [sflag:$0x1] =	stream.indirect.gather @!p1 [hbm4b:s3+s17], $0x10, s10, s17, $0xb8;
	[tilespmem:$0x12C00] =	vst v63  }
0xaa: {  	s16 =	sadd.s32 @!p1 $0xD48, s1;
	s15 =	simm.s32 @!p1 $0x7080  }
0xab: {  	[tilespmem:s15], [sflag:$0x1] =	stream.indirect.gather @!p1 [hbm4b:s3+s17], $0x10, s16, s17, $0xb8;
	[tilespmem:$0x12C00] =	vst v63  }
0xac: {  	s14 =	smov.u32 s12;
	s19 =	sadd.s32 @!p1 $0xE10, s1;
	s10 =	simm.s32 @!p1 $0x7D00  }
0xad: {  	[tilespmem:s10], [sflag:$0x1] =	stream.indirect.gather @!p1 [hbm4b:s3+s17], $0x10, s19, s17, $0xb8;
	[tilespmem:$0x12C00] =	vst v63  }
0xae: {  	s20 =	sadd.s32 @!p1 $0xFA0, s1;
	s18 =	sadd.s32 @!p1 $0xED8, s1;
	s15 =	simm.s32 @!p1 $0x8980  }
0xaf: {  	[tilespmem:s15], [sflag:$0x1] =	stream.indirect.gather @!p1 [hbm4b:s3+s17], $0x10, s18, s17, $0xb8;
	[tilespmem:$0x12C00] =	vst v63  }
0xb0: {  	s21 =	sadd.s32 @!p1 $0x1130, s1;
	s22 =	sadd.s32 @!p1 $0x11F8, s1;
	s19 =	simm.s32 @!p1 $0x9600  }
0xb1: {  	[tilespmem:s19], [sflag:$0x1] =	stream.indirect.gather @!p1 [hbm4b:s3+s17], $0x10, s20, s17, $0xb8;
	[tilespmem:$0x12C00] =	vst v63  }
0xb2: {  	s16 =	sadd.s32 @!p1 $0x1068, s1;
	s1 =	smov.u32 s14;
	s14 =	simm.s32 @!p1 $0xA280  }
0xb3: {  	[tilespmem:s14], [sflag:$0x1] =	stream.indirect.gather @!p1 [hbm4b:s3+s17], $0x10, s16, s17, $0xb8;
	[tilespmem:$0x12C00] =	vst v63  }
0xb4: {  	s15 =	simm.s32 @!p1 $0xAF00  }
0xb5: {  	[tilespmem:s15], [sflag:$0x1] =	stream.indirect.gather @!p1 [hbm4b:s3+s17], $0x10, s21, s17, $0xb8;
	[tilespmem:$0x12C00] =	vst v63  }
0xb6: {  	s14 =	simm.s32 @!p1 $0xBB80  }
0xb7: {  	[tilespmem:s14], [sflag:$0x1] =	stream.indirect.gather @!p1 [hbm4b:s3+s17], $0x10, s22, s17, $0xb8;
	[tilespmem:$0x12C00] =	vst v63  }
0xb8: {  	_ =	swait.ge [sflag:s28], $0xC80  }
0xb9: {  	[sflag:s28] =	ssyncset.done $0x0  }
0xba: {  	[sflag:s28] =	ssyncadd.s32 $0xFFFFF380  }
0xbb: {  	_ =	swait.ge [sflag:s28], $0xC80  }
0xbc: {  	[sflag:s28] =	ssyncset.done $0x0  }
0xbd: {  	[sflag:s28] =	ssyncadd.s32 $0xFFFFF380  }
0xbe: {  	_ =	swait.ge [sflag:s28], $0xC80  }
0xbf: {  	[sflag:s28] =	ssyncset.done $0x0  }
0xc0: {  	[sflag:s28] =	ssyncadd.s32 $0xFFFFF380  }
0xc1: {  	_ =	swait.ge [sflag:s28], $0xC80  }
0xc2: {  	[sflag:s28] =	ssyncset.done $0x0  }
0xc3: {  	[sflag:s28] =	ssyncadd.s32 $0xFFFFF380  }
0xc4: {  	_ =	swait.ge [sflag:s28], $0xC80  }
0xc5: {  	[sflag:s28] =	ssyncset.done $0x0  }
0xc6: {  	[sflag:s28] =	ssyncadd.s32 $0xFFFFF380  }
0xc7: {  	s12 =	sadd.s32 $0x3200, s12;
	_ =	swait.ge [sflag:s28], $0xC80  }
0xc8: {  	p0 =	sne.s32 s12, $0x19000;
	[sflag:s28] =	ssyncset.done $0x0  }
.Ltmp0:
0xc9: {  	[sflag:s28] =	ssyncadd.s32 $0xFFFFF380;
	(pc) =	sbr.rel @p0 .LBB2_2-.Ltmp0, $4  }
0xca: {  	_ =	swait.ge [sflag:s28], $0xC80  }
0xcb: {  	[sflag:s28] =	ssyncset.done $0x0  }
0xcc: {  	s10 =	smov.u32 s13;
	[sflag:s28] =	ssyncadd.s32 $0xFFFFF380  }
0xcd: {  	s13 =	sadd.s32 $0xC800, s13;
	p1 =	seq.s32 s1, $0x0;
	_ =	swait.ge [sflag:s28], $0xC80  }
0xce: {  	[sflag:s28] =	ssyncset.done $0x0  }
0xcf: {  	s12 =	simm.s32 @!p1 $0x4;
	[sflag:s28] =	ssyncadd.s32 $0xFFFFF380  }
0xd0: {  	[hbm4b:s11+s25] =	stream.strided.scatter [tilespmem:s23], [sflag:$0x4], $0x6400, s26, s25, $0x38;
	[tilespmem:$0x12C00] =	vst v63  }
0xd1: {  	_ =	swait.ge @!p1 [sflag:s12], $0x6400  }
0xd2: {  	s11 =	sshra.s32 s1, $0x2;
	[sflag:s12] =	ssyncset.done @!p1 $0x0  }
0xd3: {  	s13 =	sadd.s32 $0x640, s11;
	[sflag:s12] =	ssyncadd.s32 @!p1 $0xFFFF9C00  }
0xd4: {  	[tilespmem:s23], [sflag:$0x2] =	stream.indirect.gather [hbm4b:s3+s8], $0x10, s13, s8, $0xb8;
	[tilespmem:$0x12C00] =	vst v63  }
0xd5: {  	s19 =	sadd.s32 $0x708, s11;
	s14 =	rddreg [dreg:$0x3]  }
0xd6: {  	[tilespmem:s14], [sflag:$0x2] =	stream.indirect.gather [hbm4b:s3+s8], $0x10, s19, s8, $0xb8;
	[tilespmem:$0x12C00] =	vst v63  }
0xd7: {  	s21 =	sadd.s32 $0x7D0, s11;
	s20 =	rddreg [dreg:$0x4]  }
0xd8: {  	[tilespmem:s20], [sflag:$0x2] =	stream.indirect.gather [hbm4b:s3+s8], $0x10, s21, s8, $0xb8;
	[tilespmem:$0x12C00] =	vst v63  }
0xd9: {  	s15 =	sadd.s32 $0x898, s11;
	s22 =	rddreg [dreg:$0x5]  }
0xda: {  	[tilespmem:s22], [sflag:$0x2] =	stream.indirect.gather [hbm4b:s3+s8], $0x10, s15, s8, $0xb8;
	[tilespmem:$0x12C00] =	vst v63  }
0xdb: {  	s17 =	sadd.s32 $0x960, s11;
	s16 =	rddreg [dreg:$0x6]  }
0xdc: {  	[tilespmem:s16], [sflag:$0x2] =	stream.indirect.gather [hbm4b:s3+s8], $0x10, s17, s8, $0xb8;
	[tilespmem:$0x12C00] =	vst v63  }
0xdd: {  	s18 =	rddreg [dreg:$0x7];
	s19 =	sadd.s32 $0xA28, s11  }
0xde: {  	[tilespmem:s18], [sflag:$0x2] =	stream.indirect.gather [hbm4b:s3+s8], $0x10, s19, s8, $0xb8;
	[tilespmem:$0x12C00] =	vst v63  }
0xdf: {  	s20 =	rddreg [dreg:$0x8];
	s21 =	sadd.s32 $0xAF0, s11  }
0xe0: {  	[tilespmem:s20], [sflag:$0x2] =	stream.indirect.gather [hbm4b:s3+s8], $0x10, s21, s8, $0xb8;
	[tilespmem:$0x12C00] =	vst v63  }
0xe1: {  	s11 =	sadd.s32 $0xBB8, s11;
	s22 =	rddreg [dreg:$0x9]  }
0xe2: {  	[tilespmem:s22], [sflag:$0x2] =	stream.indirect.gather [hbm4b:s3+s8], $0x10, s11, s8, $0xb8;
	[tilespmem:$0x12C00] =	vst v63  }
0xe3: {  	_ =	swait.ge [sflag:s24], $0xC80  }
0xe4: {  	[sflag:s24] =	ssyncset.done $0x0  }
0xe5: {  	[sflag:s24] =	ssyncadd.s32 $0xFFFFF380  }
0xe6: {  	_ =	swait.ge [sflag:s24], $0xC80  }
0xe7: {  	[sflag:s24] =	ssyncset.done $0x0  }
0xe8: {  	[sflag:s24] =	ssyncadd.s32 $0xFFFFF380  }
0xe9: {  	_ =	swait.ge [sflag:s24], $0xC80  }
0xea: {  	[sflag:s24] =	ssyncset.done $0x0  }
0xeb: {  	[sflag:s24] =	ssyncadd.s32 $0xFFFFF380  }
0xec: {  	_ =	swait.ge [sflag:s24], $0xC80  }
0xed: {  	[sflag:s24] =	ssyncset.done $0x0  }
0xee: {  	[sflag:s24] =	ssyncadd.s32 $0xFFFFF380  }
0xef: {  	_ =	swait.ge [sflag:s24], $0xC80  }
0xf0: {  	[sflag:s24] =	ssyncset.done $0x0  }
0xf1: {  	[sflag:s24] =	ssyncadd.s32 $0xFFFFF380  }
0xf2: {  	_ =	swait.ge [sflag:s24], $0xC80  }
0xf3: {  	[sflag:s24] =	ssyncset.done $0x0  }
0xf4: {  	[sflag:s24] =	ssyncadd.s32 $0xFFFFF380  }
0xf5: {  	_ =	swait.ge [sflag:s24], $0xC80  }
0xf6: {  	[sflag:s24] =	ssyncset.done $0x0  }
0xf7: {  	[sflag:s24] =	ssyncadd.s32 $0xFFFFF380  }
0xf8: {  	_ =	swait.ge [sflag:s24], $0xC80  }
0xf9: {  	p0 =	seq.s32 s1, $0x15E00;
	[sflag:s24] =	ssyncset.done $0x0  }
0xfa: {  	s11 =	simm.s32 @!p0 $0x3;
	[sflag:s24] =	ssyncadd.s32 $0xFFFFF380  }
0xfb: {  	[hbm4b:s10+s25] =	stream.strided.scatter [tilespmem:s9], [sflag:$0x3], $0x6400, s26, s25, $0x38;
	[tilespmem:$0x12C00] =	vst v63  }
0xfc: {  	_ =	swait.ge @!p0 [sflag:s11], $0x6400  }
0xfd: {  	s1 =	sshra.s32 @!p0 s1, $0x2;
	s12 =	simm.s32 @!p0 $0xC8;
	[sflag:s11] =	ssyncset.done @!p0 $0x0  }
0xfe: {  	s13 =	simm.s32 @!p0 $0x6400;
	s10 =	sadd.s32 @!p0 $0xC80, s1;
	[sflag:s11] =	ssyncadd.s32 @!p0 $0xFFFF9C00  }
0xff: {  	[tilespmem:s13], [sflag:$0x1] =	stream.indirect.gather @!p0 [hbm4b:s3+s12], $0x10, s10, s12, $0xb8;
	[tilespmem:$0x12C00] =	vst v63  }
0x100: {  	s11 =	simm.s32 @!p0 $0x7080;
	s10 =	sadd.s32 @!p0 $0xD48, s1  }
0x101: {  	[tilespmem:s11], [sflag:$0x1] =	stream.indirect.gather @!p0 [hbm4b:s3+s12], $0x10, s10, s12, $0xb8;
	[tilespmem:$0x12C00] =	vst v63  }
0x102: {  	s10 =	sadd.s32 @!p0 $0xE10, s1;
	s11 =	simm.s32 @!p0 $0x7D00  }
0x103: {  	[tilespmem:s11], [sflag:$0x1] =	stream.indirect.gather @!p0 [hbm4b:s3+s12], $0x10, s10, s12, $0xb8;
	[tilespmem:$0x12C00] =	vst v63  }
0x104: {  	s10 =	sadd.s32 @!p0 $0xED8, s1;
	s11 =	simm.s32 @!p0 $0x8980  }
0x105: {  	[tilespmem:s11], [sflag:$0x1] =	stream.indirect.gather @!p0 [hbm4b:s3+s12], $0x10, s10, s12, $0xb8;
	[tilespmem:$0x12C00] =	vst v63  }
0x106: {  	s10 =	sadd.s32 @!p0 $0xFA0, s1;
	s11 =	simm.s32 @!p0 $0x9600  }
0x107: {  	[tilespmem:s11], [sflag:$0x1] =	stream.indirect.gather @!p0 [hbm4b:s3+s12], $0x10, s10, s12, $0xb8;
	[tilespmem:$0x12C00] =	vst v63  }
0x108: {  	s10 =	sadd.s32 @!p0 $0x1068, s1;
	s11 =	simm.s32 @!p0 $0xA280  }
0x109: {  	[tilespmem:s11], [sflag:$0x1] =	stream.indirect.gather @!p0 [hbm4b:s3+s12], $0x10, s10, s12, $0xb8;
	[tilespmem:$0x12C00] =	vst v63  }
0x10a: {  	s10 =	sadd.s32 @!p0 $0x1130, s1;
	s11 =	simm.s32 @!p0 $0xAF00  }
0x10b: {  	[tilespmem:s11], [sflag:$0x1] =	stream.indirect.gather @!p0 [hbm4b:s3+s12], $0x10, s10, s12, $0xb8;
	[tilespmem:$0x12C00] =	vst v63  }
0x10c: {  	s1 =	sadd.s32 @!p0 $0x11F8, s1;
	s10 =	simm.s32 @!p0 $0xBB80  }
0x10d: {  	[tilespmem:s10], [sflag:$0x1] =	stream.indirect.gather @!p0 [hbm4b:s3+s12], $0x10, s1, s12, $0xb8;
	[tilespmem:$0x12C00] =	vst v63  }
0x10e: {  	_ =	swait.ge [sflag:s28], $0xC80  }
0x10f: {  	[sflag:s28] =	ssyncset.done $0x0  }
0x110: {  	[sflag:s28] =	ssyncadd.s32 $0xFFFFF380  }
0x111: {  	_ =	swait.ge [sflag:s28], $0xC80  }
0x112: {  	[sflag:s28] =	ssyncset.done $0x0  }
0x113: {  	[sflag:s28] =	ssyncadd.s32 $0xFFFFF380  }
0x114: {  	_ =	swait.ge [sflag:s28], $0xC80  }
0x115: {  	[sflag:s28] =	ssyncset.done $0x0  }
0x116: {  	[sflag:s28] =	ssyncadd.s32 $0xFFFFF380  }
0x117: {  	_ =	swait.ge [sflag:s28], $0xC80  }
0x118: {  	[sflag:s28] =	ssyncset.done $0x0  }
0x119: {  	[sflag:s28] =	ssyncadd.s32 $0xFFFFF380  }
0x11a: {  	_ =	swait.ge [sflag:s28], $0xC80  }
0x11b: {  	[sflag:s28] =	ssyncset.done $0x0  }
0x11c: {  	[sflag:s28] =	ssyncadd.s32 $0xFFFFF380  }
0x11d: {  	_ =	swait.ge [sflag:s28], $0xC80  }
0x11e: {  	[sflag:s28] =	ssyncset.done $0x0  }
0x11f: {  	[sflag:s28] =	ssyncadd.s32 $0xFFFFF380  }
0x120: {  	_ =	swait.ge [sflag:s28], $0xC80  }
0x121: {  	[sflag:s28] =	ssyncset.done $0x0  }
0x122: {  	[sflag:s28] =	ssyncadd.s32 $0xFFFFF380  }
0x123: {  	_ =	swait.ge [sflag:s28], $0xC80  }
0x124: {  	[sflag:s28] =	ssyncset.done $0x0  }
0x125: {  	s31 =	sadd.s32 $0x1, s31;
	[sflag:s28] =	ssyncadd.s32 $0xFFFFF380  }
0x126: {  	[hbm4b:s0+s25] =	stream.strided.scatter [tilespmem:s23], [sflag:$0x4], $0x6400, s26, s25, $0x38;
	[tilespmem:$0x12C00] =	vst v63  }
0x127: {  	p0 =	sne.s32 s31, s5;
	_ =	swait.ge [sflag:s29], $0x6400  }
.Ltmp1:
0x128: {  	[sflag:s29] =	ssyncset.done $0x0;
	(pc) =	sbr.rel @p0 .LBB2_1-.Ltmp1, $4  }
0x129: {  	[sflag:s29] =	ssyncadd.s32 $0xFFFF9C00  }
0x12a: {  	_ =	swait.ge [sflag:s30], $0x6400  }
0x12b: {  	[sflag:s30] =	ssyncset.done $0x0  }
0x12c: {  	[sflag:s30] =	ssyncadd.s32 $0xFFFF9C00  }
0x12d: {  	_ =	sfence.sel $0x180000  }
0x12e: {  	[bflag:$0x0] =	sbarrier.arrive $0xFFFF  }
0x12f: {  	_ =	strace $0x90000047  }
0x130: {  	s0 =	stileid.u32;
	[bflag:$0x2] =	sbarrier.arrive $0xFFFF  }
0x131: {  	p0 =	sne.s32 s0, $0x0;
	s0 =	rddreg [dreg:$0x2]  }
0x132: {  	s0 =	sadd.s32 @!p0 $0x100000, s0  }
0x133: {  	[sflag:s0] =	ssyncadd.tile.s32 @!p0 $0x1;
	_ =	shalt  }
.Lfunc_end2:
_tile_overlayer_lowered:
.L_overlay_start_2:
0x134: {  	(tag) =	ssettag $0x2  }
0x135: {  	s0 =	rddreg [dreg:$0x0];
	s2 =	stileid.u32  }
0x136: {  	s1 =	rddreg [dreg:$0x1];
	p0 =	sne.s32 s2, $0x0  }
0x137: {  	s3 =	rddreg [dreg:$0x2];
	[bflag:$0x3] =	sbarrier.arrive $0xFFFF;
	s2 =	simm.s32 @!p0 $0x1C05  }
0x138: {  	[timem:s3], [sflag:s2] =	dma.local @!p0 [hbm:s0], s1  }
0x139: {  	s0 =	simm.s32 @!p0 $0x5  }
0x13a: {  	_ =	swait.ge @!p0 [sflag:s0], s1  }
0x13b: {  	s1 =	ssub.s32 @!p0 $0x0, s1;
	[sflag:s0] =	ssyncset.done @!p0 $0x0  }
0x13c: {  	[sflag:s0] =	ssyncadd.s32 @!p0 s1  }
0x13d: {  	[bflag:$0x3] =	sbarrier.arrive $0xFFFF  }
0x13e: {  	_ =	shalt  }

// kernel: sparse-core-data-format-call.cloned.1.call-start
scs
called_computation_lowered:
.L_overlay_start_0:
0x0: {  	s2 =	sld [smem:$0x3FD9]  }
0x1: {  	s3 =	sld [smem:$0x3FFE];
	_ =	sdelay $0x1  }
0x2: {  	s1 =	srdreg.scid  }
0x3: {  	s0 =	sand.u32 $0x1, s1  }
0x4: {  	s18 =	sshll.u32 s0, $0xA;
	s2 =	sadd.s32 s3, s2  }
0x5: {  	s2 =	sadd.s32 s2, s18  }
0x6: {  	[smem:$0x3FC5] =	sst s2  }
0x7: {  	_ = 	snop  }
0x8: {  	s2 =	sld [smem:$0x3FD0];
	(tm) =	ssettm $0x1  }
0x9: {  	s19 =	sld [smem:$0x3FFB];
	_ =	sdelay $0x3  }
0xa: {  	_ =	strace s19  }
0xb: {  	s3 =	sld [smem:$0x3FFC];
	_ =	sdelay $0x3  }
0xc: {  	_ =	strace s3  }
0xd: {  	s3 =	sld [smem:$0x3FFD];
	_ =	sdelay $0x3  }
0xe: {  	_ =	strace s3  }
0xf: {  	_ =	strace $0x8FFFFFFF  }
0x10: {  	s20 =	sld [smem:$0x3FDB];
	_ =	sdelay $0x1  }
0x11: {  	s4 =	simm.s32 $_scs_section_size  }
0x12: {  	s5 =	simm.s32 $_size__tile_overlayer_lowered;
	s6 =	simm.s32 $_tile_overlayer_lowered  }
0x13: {  	s23 =	simm.s32 $0x1BFF;
	s22 =	sshll.u32 s6, $0x1;
	s3 =	sadd.s32 s4, s20  }
0x14: {  	s7 =	simm.s32 $0x0;
	s21 =	sshll.u32 s5, $0x1;
	s5 =	sadd.s32 s22, s3  }
0x15: {  	[timem:s7], [sflag:s23] =	dma.local [hbm:s5], s21  }
0x16: {  	_ =	swait.ge [sflag:s23], s21  }
0x17: {  	s4 =	ssub.s32 $0x0, s21;
	[sflag:s23] =	ssyncset.done $0x0  }
0x18: {  	[sflag:s23] =	ssyncadd.s32 s4;
	_ =	sdelay $0x1  }
0x19: {  	s24 =	simm.s32 $0x1B8B  }
0x1a: {  	_ =	swait.ge [sflag:s24], $0x1  }
0x1b: {  	[sflag:s24] =	ssyncset.done $0x0  }
0x1c: {  	s26 =	simm.s32 $0x1B8E;
	s25 =	sld [smem:$0x3FFE];
	[sflag:s24] =	ssyncadd.s32 $0xFFFFFFFF  }
0x1d: {  	s27 =	simm.s32 $execute0_lowered;
	[smem:$0x3FD2] =	sst s26  }
0x1e: {  	s5 =	sshll.u32 s27, $0x1;
	_ =	strace $0x80000049;
	[dreg:$0x1] =	wrdreg $0xFFFFFFFF  }
0x1f: {  	s28 =	simm.s32 $_size_execute0_lowered;
	s3 =	sadd.s32 s3, s5;
	[dreg:$0x0] =	wrdreg $0x0  }
0x20: {  	s5 =	sshll.u32 s28, $0x1;
	[dreg:$0x2] =	wrdreg s3  }
0x21: {  	[dreg:$0x3] =	wrdreg s5  }
0x22: {  	[dreg:$0x4] =	wrdreg $0xC0  }
0x23: {  	_ =	task [dreg:s7], $0x5FFFF  }
0x24: {  	[dreg:$0x1] =	wrdreg $0xFFFFFFFF  }
0x25: {  	[dreg:$0x0] =	wrdreg $0x60  }
0x26: {  	[dreg:$0x2] =	wrdreg s25  }
0x27: {  	[dreg:$0x3] =	wrdreg s2  }
0x28: {  	[dreg:$0x4] =	wrdreg $0x9  }
0x29: {  	_ =	task.clear_ibuf [dreg:s7], $0x5FFFF;
	_ =	strace $0x90000049  }
0x2a: {  	s29 =	simm.s32 $0x9;
	_ =	strace $0x8000004B  }
0x2b: {  	_ =	swait.ge [sflag:s29], $0x1  }
0x2c: {  	[sflag:s29] =	ssyncadd.s32 $0xFFFFFFFF  }
0x2d: {  	_ =	strace $0x9000004B  }
0x2e: {  	_ =	sfence  }
0x2f: {  	s30 =	sld [smem:$0x0];
	_ =	sdelay $0x2  }
0x30: {  	s31 =	sshll.u32 s1, $0xD;
	s1 =	sshrl.u32 s1, $0x2  }
0x31: {  	s3 =	sand.u32 $0x4000, s31;
	s1 =	sadd.s32 s1, s30  }
0x32: {  	s0 =	sor.u32 s3, s0;
	s1 =	sshll.u32 s1, $0x11  }
0x33: {  	s0 =	sor.u32 s1, s0  }
0x34: {  	s0 =	sadd.s32 $0x8F2B, s0  }
0x35: {  	[sflag:s0] =	ssyncadd.remote.s32 $0x1  }
0x36: {  	_ =	sfence.sel $0xFFFF  }
0x37: {  	[dreg:$0x0] =	wrdreg $0xFFFFFFFF;
	(pc) =	sbr.abs _section_cstart, $3  }
0x38: {  	[dreg:$0x1] =	wrdreg $0xFFFFFFFF  }
0x39: {  	_ =	task.clear_ibuf [dreg:s7], $0x2FFFF;
	_ =	strace $0x9FFFFFFF  }
0x3a: {  	(tm) =	ssettm $0x7FFFFFFF  }
0x3b: {  	_ =	shalt  }
tec
execute0_lowered:
.L_overlay_start_1:
0x0: {  	(tag) =	ssettag $0x1  }
0x1: {  	s0 =	srdreg.scid  }
0x2: {  	s1 =	sshll.u32 s0, $0x4  }
0x3: {  	s0 =	stileid.u32;
	s1 =	sand.u32 $0x10, s1  }
0x4: {  	s1 =	sor.u32 s0, s1  }
0x5: {  	s6 =	rddreg [dreg:$0x0];
	s4 =	simm.s32 $0x1;
	s2 =	sshll.u32 s1, $0x7  }
0x6: {  	s7 =	simm.s32 $0x2;
	s12 =	simm.s32 $0x0;
	s1 =	ssub.s32 $0x1000, s2  }
0x7: {  	s8 =	simm.s32 $0x8000;
	s13 =	simm.s32 $0x0;
	s3 =	sand.u32 $0xF80, s1  }
0x8: {  	s9 =	simm.s32 $0x0;
	s5 =	sshrl.u32 s1, $0xC;
	p0 =	sne.s32 s3, $0x0  }
.Ltmp0:
0x9: {  	s1 =	rddreg [dreg:$0x2];
	s4 =	simm.s32 @!p0 $0x0;
	(pc) =	sbr.rel .LBB1_1-.Ltmp0, $4  }
0xa: {  	s11 =	simm.s32 $0x0;
	s3 =	rddreg [dreg:$0x1];
	s5 =	sadd.s32 s4, s5  }
0xb: {  	_ =	strace $0x8000004A;
	s4 =	simm.s32 $0x1;
	s5 =	smul.u32 $0xC8, s5  }
0xc: {  	s6 =	sadd.s32 $0x1E8E00, s6;
	s10 =	smov.u32 s2;
	[sflag:s4] =	ssyncpa.u1 $0x0  }
0xd: {  	p0 =	por $0x0, $0x0;
	[sflag:s7] =	ssyncpa.u1 $0x0;
	s7 =	sor.u32 $0x1, s5  }
.LBB1_4:
0xe: {  	s16 =	sshll.u32 s13, $0x3;
	s17 =	sand.u32 $0x78, s13  }
0xf: {  	s30 =	sand.u32 $0x1E00, s13;
	s12 =	sshll.u32 s12, $0xD;
	s16 =	sand.u32 $0xC00, s16  }
0x10: {  	s31 =	sand.u32 $0x7, s13;
	s16 =	sor.u32 s17, s16;
	s17 =	sadd.s32 s3, s30  }
0x11: {  	s13 =	sshll.u32 s31, $0x12;
	s16 =	sshrl.u32 s16, $0x3;
	s12 =	sadd.s32 s12, s17  }
0x12: {  	[tilespmem:s15+$0x0 ss:$0x81] =	vst.msk $0xffff, v1;
	s13 =	sor.u32 $0x400, s13;
	s12 =	sadd.s32 s16, s12  }
0x13: {  	[hbm4b:s12+s13] =	stream.strided.scatter [tilespmem:s14], [sflag:$0x2], $0x800, s8, s13, $0x20;
	[tilespmem:$0x2020] =	vst v63  }
.LBB1_5:
0x14: {  	s14 =	sadd.s32 $0x1, s9  }
0x15: {  	s12 =	sadd.s32 $0x1000, s10;
	s16 =	smov.u32 s10;
	p2 =	sgt.s32 s14, $0xC7  }
0x16: {  	s16 =	smov.u32 @p2 s12  }
0x17: {  	s14 =	simm.s32 @p2 $0x0;
	p2 =	sgt.s32 s16, $0xFFF  }
0x18: {  	s16 =	smov.u32 @p2 s2;
	p2 =	sne.s32 s11, s7  }
.Ltmp1:
0x19: {  	p1 =	slt.u32 s11, $0x2;
	(pc) =	sbr.rel @!p2 .LBB1_6-.Ltmp1, $4  }
0x1a: {  	s15 =	simm.s32 @!p1 $0x2  }
0x1b: {  	s13 =	smov.u32 s10;
	p0 =	por !p0, !p0;
	_ =	swait.ge @!p1 [sflag:s15], $0x800  }
0x1c: {  	s12 =	smov.u32 s9;
	[sflag:s15] =	ssyncset.done @!p1 $0x0;
	s9 =	smov.u32 s14  }
0x1d: {  	s11 =	sadd.s32 $0x1, s11;
	[sflag:s15] =	ssyncadd.s32 @!p1 $0xFFFFF800;
	s10 =	smov.u32 s16  }
.LBB1_1:
0x1e: {  	p1 =	sge.u32 s11, s5  }
0x1f: {  	s14 =	sand.u32 @!p1 $0x1FFFFFF, s9  }
0x20: {  	s15 =	smulhi.u32 @!p1 $0x147AE15, s14;
	_ =	sdelay $0x1  }
0x21: {  	s15 =	smul.u32 @!p1 $0xC8, s15  }
0x22: {  	s16 =	sxor.u32 @!p1 $0xFFFFFFFF, s11;
	s17 =	smul.u32 @!p1 $0xC80, s10  }
0x23: {  	s31 =	sadd.s32 $0xFFFFFFFF, s11;
	s16 =	sshll.u32 @!p1 s16, $0xB;
	s14 =	ssub.s32 @!p1 s14, s15  }
0x24: {  	s15 =	sand.u32 @!p1 $0x800, s16;
	s16 =	sadd.s32 @!p1 s6, s17;
	s14 =	sshll.u32 @!p1 s14, $0x4  }
0x25: {  	s17 =	simm.s32 @!p1 $0x6400;
	s14 =	sadd.s32 @!p1 s14, s16;
	s16 =	simm.s32 @!p1 $0x10  }
0x26: {  	[tilespmem:s15], [sflag:$0x1] =	stream.strided.gather @!p1 [hbm4b:s14+s16], $0x800, s17, s16, $0x38;
	[tilespmem:$0x2020] =	vst v63  }
0x27: {  	p1 =	sge.u32 s31, s5  }
.Ltmp2:
0x28: {  	_ = 	snop;
	(pc) =	sbr.rel @p1 .LBB1_5-.Ltmp2, $1  }
0x29: {  	_ =	sdelay $0x3  }
0x2a: {  	s14 =	simm.s32 $0x1  }
0x2b: {  	s14 =	simm.s32 @!p0 $0x0  }
0x2c: {  	s15 =	sshll.u32 s14, $0xB  }
0x2d: {  	v0 =	vmov s15;
	_ =	sdelay $0x1  }
0x2e: {  	_ =	swait.ge [sflag:s4], $0x800  }
0x2f: {  	s31 =	sand.u32 $0x1, s11;
	[sflag:s4] =	ssyncset.done $0x0  }
0x30: {  	s17 =	simm.s32 $0x0;
	s14 =	smul.u32 $0x2040, s14;
	[sflag:s4] =	ssyncadd.s32 $0xFFFFF800  }
0x31: {  	s15 =	smul.u32 $0x2040, s31;
	v1 =	vld.idx.msk [tilespmem:v0+s17+$0x0 ss:$0x1], $0xffff;
	_ =	sdelay $0x1  }
0x32: {  	s14 =	sshrl.u32 s14, $0x2;
	s16 =	sshrl.u32 s15, $0x2  }
0x33: {  	s15 =	sor.u32 $0x1000, s14;
	s14 =	sor.u32 $0x1000, s16;
	s16 =	simm.s32 $0x40  }
.LBB1_3:
0x34: {  	s17 =	sshra.s32 s16, $0x2;
	p1 =	sne.s32 s16, $0x1FC0;
	s16 =	sadd.s32 $0x40, s16  }
.Ltmp3:
0x35: {  	[tilespmem:s15+$0x0 ss:$0x81] =	vst.msk $0xffff, v1;
	v1 =	vld.idx.msk [tilespmem:v0+s17+$0x0 ss:$0x1], $0xffff;
	(pc) =	sbr.rel @p1 .LBB1_3-.Ltmp3, $2  }
0x36: {  	_ =	sdelay $0x2  }
0x37: {  	s15 =	sadd.s32 $0x1, s15  }
.Ltmp4:
0x38: {  	_ = 	snop;
	(pc) =	sbr.rel .LBB1_4-.Ltmp4, $1  }
0x39: {  	_ =	sdelay $0x3  }
.LBB1_6:
0x3a: {  	_ =	sfence.sel $0x180000  }
0x3b: {  	s2 =	simm.s32 $0x1;
	[bflag:$0x0] =	sbarrier.arrive $0xFFFF  }
0x3c: {  	s31 =	simm.s32 $0x2;
	[sflag:s2] =	ssyncpa.u1 $0x1  }
0x3d: {  	[sflag:s31] =	ssyncpa.u1 $0x1  }
0x3e: {  	p0 =	sne.s32 s0, $0x0;
	_ =	strace $0x9000004A  }
0x3f: {  	s0 =	sadd.s32 @!p0 $0x100000, s1;
	[bflag:$0x2] =	sbarrier.arrive $0xFFFF  }
0x40: {  	[sflag:s0] =	ssyncadd.tile.s32 @!p0 $0x1;
	_ =	shalt  }
.Lfunc_end1:
_tile_overlayer_lowered:
.L_overlay_start_2:
0x41: {  	(tag) =	ssettag $0x2  }
0x42: {  	s0 =	rddreg [dreg:$0x0];
	s2 =	stileid.u32  }
0x43: {  	s1 =	rddreg [dreg:$0x1];
	p0 =	sne.s32 s2, $0x0  }
0x44: {  	s3 =	rddreg [dreg:$0x2];
	[bflag:$0x3] =	sbarrier.arrive $0xFFFF;
	s2 =	simm.s32 @!p0 $0x1C01  }
0x45: {  	[timem:s3], [sflag:s2] =	dma.local @!p0 [hbm:s0], s1  }
0x46: {  	s0 =	simm.s32 @!p0 $0x1  }
0x47: {  	_ =	swait.ge @!p0 [sflag:s0], s1  }
0x48: {  	s1 =	ssub.s32 @!p0 $0x0, s1;
	[sflag:s0] =	ssyncset.done @!p0 $0x0  }
0x49: {  	[sflag:s0] =	ssyncadd.s32 @!p0 s1  }
0x4a: {  	[bflag:$0x3] =	sbarrier.arrive $0xFFFF  }
0x4b: {  	_ =	shalt  }

</sc_bundles>
